<compile_context>
chip_gen: v7x
topology: tpu7x:2x2x1
jax: 0.10.2.dev20260603
libtpu: 0.0.44.dev20260713+nightly
codegen_flags: <defaults>
</compile_context>

<pallas_src>
import functools

import jax
import jax.numpy as jnp
from jax import lax
from jax.experimental import pallas as pl
from jax.experimental.pallas import tpu as pltpu
from jax.experimental.pallas import tpu_sc as plsc

NC = 2
NS = 16
NW = NC * NS

EPS = 1e-5
RPC = 2
GRPS = (0, 128)
GRPL = (128, 72)
BBT = 128


def _make_gather(B, S, V, piece, npieces):
    bp = B // npieces
    rows_w = bp // NW
    n_chunks = rows_w // RPC
    mesh = plsc.VectorSubcoreMesh(
        core_axis_name="c", subcore_axis_name="s", num_cores=NC, num_subcores=NS
    )

    @functools.partial(
        pl.kernel,
        out_type=jax.ShapeDtypeStruct((bp * S, 128), jnp.float32),
        mesh=mesh,
        scratch_types=[
            pltpu.VMEM((rows_w, S), jnp.int32),
            pltpu.VMEM((2, RPC * S, 128), jnp.float32),
            pltpu.SemaphoreType.DMA,
            pltpu.SemaphoreType.DMA,
        ],
        compiler_params=pltpu.CompilerParams(use_tc_tiling_on_sc=True),
    )
    def k(idx_hbm, table_hbm, out_hbm, idx_v, rows_v, sem_g, sem_o):
        wid = lax.axis_index("s") * NC + lax.axis_index("c")
        brow0 = wid * rows_w

        pltpu.sync_copy(
            idx_hbm.at[pl.ds(piece * bp + brow0, rows_w)], idx_v
        )

        def start_gathers(g, b):
            for r in range(RPC):
                for o, n in zip(GRPS, GRPL):
                    pltpu.async_copy(
                        table_hbm.at[idx_v.at[g * RPC + r, pl.ds(o, n)]],
                        rows_v.at[b, pl.ds(r * S + o, n)],
                        sem_g,
                    )

        def wait_chunk(b, sem):
            pltpu.make_async_copy(
                out_hbm.at[pl.ds(0, RPC * S)], rows_v.at[b], sem
            ).wait()

        start_gathers(0, 0)

        def chunk_body(g, carry):
            b = g % 2
            wait_chunk(b, sem_g)

            @pl.when(g + 1 < n_chunks)
            def _():
                @pl.when(g >= 1)
                def _():
                    wait_chunk(1 - b, sem_o)
                start_gathers(g + 1, 1 - b)

            pltpu.async_copy(
                rows_v.at[b],
                out_hbm.at[pl.ds((brow0 + g * RPC) * S, RPC * S)],
                sem_o,
            )
            return carry

        lax.fori_loop(0, n_chunks, chunk_body, 0)
        wait_chunk(0, sem_o)
        wait_chunk(1, sem_o)

    return k


def _pad_body(t_ref, o_ref):
    o_ref[:, :64] = t_ref[...]
    o_ref[:, 64:] = jnp.zeros_like(t_ref[...])


def _make_pad(V, D):
    BLK = 8000
    assert V % BLK == 0
    return pl.pallas_call(
        _pad_body,
        grid=(V // BLK,),
        in_specs=[pl.BlockSpec((BLK, D), lambda i: (i, 0))],
        out_specs=pl.BlockSpec((BLK, 128), lambda i: (i, 0)),
        out_shape=jax.ShapeDtypeStruct((V, 128), jnp.float32),
        compiler_params=pltpu.CompilerParams(
            dimension_semantics=("arbitrary",),
        ),
    )


def _ln_body(e_ref, gb_ref, out_ref):
    x = e_ref[...][:, :64]
    gam = gb_ref[0, :]
    bet = gb_ref[1, :]
    inv_d = jnp.float32(1.0 / 64)
    s = jnp.sum(x, axis=1) * inv_d
    q = jnp.sum(x * x, axis=1) * inv_d
    r = lax.rsqrt(q - s * s + jnp.float32(EPS))
    nm = (x - s[:, None]) * r[:, None] * gam[None, :] + bet[None, :]
    nrows, S, D = out_ref.shape[2], out_ref.shape[0], out_ref.shape[1]
    out_ref[...] = jnp.transpose(nm.reshape(nrows, S, D), (1, 2, 0))


def _ln_body_acc(e_ref, gb_ref, prev_ref, out_ref):
    _ln_body(e_ref, gb_ref, out_ref)


def _make_ln(B, S, D, piece, npieces, first):
    bp = B // npieces
    steps_p = bp // BBT
    body = _ln_body if first else _ln_body_acc
    in_specs = [
        pl.BlockSpec((BBT * S, 128), lambda i: (i, 0)),
        pl.BlockSpec((2, D), lambda i: (0, 0)),
    ]
    if not first:
        in_specs.append(pl.BlockSpec((8, D, 128), lambda i: (0, 0, 0)))
    return pl.pallas_call(
        body,
        grid=(steps_p,),
        in_specs=in_specs,
        out_specs=pl.BlockSpec(
            (S, D, BBT), lambda i, p=piece: (0, 0, p * steps_p + i)
        ),
        out_shape=jax.ShapeDtypeStruct((S, D, B), jnp.float32),
        input_output_aliases={} if first else {2: 0},
        compiler_params=pltpu.CompilerParams(
            dimension_semantics=("arbitrary",),
            vmem_limit_bytes=100 * 1024 * 1024,
        ),
    )


NP = 4


def kernel(x, table, gamma, beta):
    B, S = x.shape
    V, D = table.shape
    tp = jnp.concatenate([table, jnp.zeros((V, 128 - D), jnp.float32)], axis=1)
    xi = x.astype(jnp.int32)
    gb = jnp.stack([gamma, beta]).astype(jnp.float32)
    es = [_make_gather(B, S, V, p, NP)(xi, tp) for p in range(NP)]
    out_t = _make_ln(B, S, D, 0, NP, True)(es[0], gb)
    for p in range(1, NP):
        out_t = _make_ln(B, S, D, p, NP, False)(es[p], gb, out_t)
    return out_t.transpose(2, 0, 1)

# --- scband reference (transcript-rebuilt; emitter-appended) ---
"""Pipeline reference for scband-embedding-lnorm-10170482557295 (READ-ONLY COPY).

The authoritative reference and input builder live on the scoring server;
editing this copy changes nothing except your own understanding.
"""

import jax, jax.numpy as jnp
import numpy as np

VOCAB = 1000000
DIM = 64
BATCH = 4096
SEQ = 200
EPS = 1e-5


def setup_inputs(seed: int = 0) -> dict:
    key = jax.random.key(seed)
    k1, k2 = jax.random.split(key)
    x = jax.random.randint(k1, (BATCH, SEQ), 0, VOCAB, dtype=jnp.int64) if jax.config.jax_enable_x64 else jax.random.randint(k1, (BATCH, SEQ), 0, VOCAB, dtype=jnp.int32)
    table = jax.random.normal(k2, (VOCAB, DIM), dtype=jnp.float32)
    gamma = jnp.ones((DIM,), dtype=jnp.float32)
    beta = jnp.zeros((DIM,), dtype=jnp.float32)
    return {"x": x, "table": table, "gamma": gamma, "beta": beta}


def reference(x, table, gamma, beta):
    # embedding lookup
    emb = jnp.take(table, x, axis=0)  # [B, S, D]
    # layer norm over last dim (matches nn.LayerNorm(embedding_dim), eps=1e-5)
    mean = jnp.mean(emb, axis=-1, keepdims=True)
    var = jnp.mean(jnp.square(emb - mean), axis=-1, keepdims=True)
    normed = (emb - mean) / jnp.sqrt(var + EPS)
    return normed * gamma + beta

if __name__ == "__main__":
    import jax
    _d = setup_inputs()
    print(jax.jit(kernel)(*tuple(_d.values())))

</pallas_src>

<mosaic_0001>
#map = affine_map<(d0, d1) -> (0, 0)>
module attributes {stable_mosaic.version = 14 : i64} {
  func.func @k(%arg0: i32, %arg1: i32, %arg2: memref<4096x200xi32, #tpu.memory_space<hbm>>, %arg3: memref<1000000x128xf32, #tpu.memory_space<hbm>>, %arg4: memref<204800x128xf32, #tpu.memory_space<hbm>>, %arg5: memref<32x200xi32, #tpu.memory_space<vmem>>, %arg6: memref<2x400x128xf32, #tpu.memory_space<vmem>>, %arg7: memref<!tpu.dma_semaphore, #tpu.memory_space<semaphore_mem>>, %arg8: memref<!tpu.dma_semaphore, #tpu.memory_space<semaphore_mem>>) attributes {dimension_semantics = [#tpu.dimension_semantics<core_parallel>, #tpu.dimension_semantics<subcore_parallel>], iteration_bounds = array<i64: 2, 16>, scalar_prefetch = 0 : i64, scratch_operands = 4 : i64, tpu.core_type = #tpu.core_type<sc_vector_subcore>, window_params = [{transform_indices = #map}, {transform_indices = #map}, {transform_indices = #map}]} {
    %mul3A = arith.constant 2 : i32
    %mul3A_0 = arith.muli %arg1, %mul3A : i32
    %add3A = arith.addi %mul3A_0, %arg0 : i32
    %mul3A_1 = arith.constant 32 : i32
    %mul3A_2 = arith.muli %add3A, %mul3A_1 : i32
    %add3A_3 = arith.constant 0 : i32
    %add3A_4 = arith.addi %add3A_3, %mul3A_2 : i32
    "tpu.region"() ({
      %run_scoped3A = tpu.sem_alloc : memref<!tpu.dma_semaphore, #tpu.memory_space<semaphore_mem>>
      %dma_start3A_86 = arith.constant 0 : i32
      %dma_start3A_87 = tpu.memref_slice %arg2[%add3A_4, %dma_start3A_86] : memref<4096x200xi32, #tpu.memory_space<hbm>> -> memref<32x200xi32, #tpu.memory_space<hbm>>
      %dma_start3A_88 = arith.constant 0 : i32
      %dma_start3A_89 = tpu.memref_slice %arg2[%add3A_4, %dma_start3A_88] : memref<4096x200xi32, #tpu.memory_space<hbm>> -> memref<32x200xi32, #tpu.memory_space<hbm>>
      tpu.enqueue_dma source(%dma_start3A_89 : memref<32x200xi32, #tpu.memory_space<hbm>>) target(%arg5 : memref<32x200xi32, #tpu.memory_space<vmem>>) target_semaphore(%run_scoped3A : memref<!tpu.dma_semaphore, #tpu.memory_space<semaphore_mem>>)
      %dma_wait3A_90 = arith.constant 0 : i32
      %dma_wait3A_91 = tpu.memref_slice %arg2[%add3A_4, %dma_wait3A_90] : memref<4096x200xi32, #tpu.memory_space<hbm>> -> memref<32x200xi32, #tpu.memory_space<hbm>>
      %dma_wait3A_92 = arith.constant 0 : i32
      %dma_wait3A_93 = tpu.memref_slice %arg2[%add3A_4, %dma_wait3A_92] : memref<4096x200xi32, #tpu.memory_space<hbm>> -> memref<32x200xi32, #tpu.memory_space<hbm>>
      tpu.wait_dma2 semaphore(%run_scoped3A : memref<!tpu.dma_semaphore, #tpu.memory_space<semaphore_mem>>) src(%dma_wait3A_93 : memref<32x200xi32, #tpu.memory_space<hbm>>) dst(%arg5 : memref<32x200xi32, #tpu.memory_space<vmem>>)
      tpu.yield
    }) : () -> ()
    %dma_start3A = arith.constant 0 : i32
    %dma_start3A_5 = arith.constant 0 : i32
    %dma_start3A_6 = arith.constant 0 : i32
    %dma_start3A_7 = arith.constant 0 : i32
    %dma_start3A_8 = tpu.memref_slice %arg6[%dma_start3A_5, %dma_start3A_6, %dma_start3A_7] : memref<2x400x128xf32, #tpu.memory_space<vmem>> -> memref<1x128x128xf32, #tpu.memory_space<vmem>>
    %dma_start3A_9 = tpu.memref_squeeze %dma_start3A_8 : memref<1x128x128xf32, #tpu.memory_space<vmem>> -> memref<128x128xf32, #tpu.memory_space<vmem>>
    %dma_start3A_10 = arith.constant 0 : i32
    %dma_start3A_11 = tpu.memref_slice %arg5[%dma_start3A, %dma_start3A_10] : memref<32x200xi32, #tpu.memory_space<vmem>> -> memref<1x128xi32, #tpu.memory_space<vmem>>
    %dma_start3A_12 = tpu.memref_squeeze %dma_start3A_11 : memref<1x128xi32, #tpu.memory_space<vmem>> -> memref<128xi32, #tpu.memory_space<vmem>>
    %dma_start3A_13 = arith.constant 0 : i32
    %dma_start3A_14 = arith.constant 0 : i32
    %dma_start3A_15 = tpu.memref_slice %arg3[%dma_start3A_13, %dma_start3A_14] : memref<1000000x128xf32, #tpu.memory_space<hbm>> -> memref<1000000x128xf32, #tpu.memory_space<hbm>>
    tpu.enqueue_indirect_dma source(%dma_start3A_15 : memref<1000000x128xf32, #tpu.memory_space<hbm>>) target(%dma_start3A_9 : memref<128x128xf32, #tpu.memory_space<vmem>>) offsets(%dma_start3A_12 : memref<128xi32, #tpu.memory_space<vmem>>) semaphore(%arg7 : memref<!tpu.dma_semaphore, #tpu.memory_space<semaphore_mem>>)
    %dma_start3A_16 = arith.constant 0 : i32
    %dma_start3A_17 = arith.constant 0 : i32
    %dma_start3A_18 = arith.constant 128 : i32
    %dma_start3A_19 = arith.constant 0 : i32
    %dma_start3A_20 = tpu.memref_slice %arg6[%dma_start3A_17, %dma_start3A_18, %dma_start3A_19] : memref<2x400x128xf32, #tpu.memory_space<vmem>> -> memref<1x72x128xf32, #tpu.memory_space<vmem>>
    %dma_start3A_21 = tpu.memref_squeeze %dma_start3A_20 : memref<1x72x128xf32, #tpu.memory_space<vmem>> -> memref<72x128xf32, #tpu.memory_space<vmem>>
    %dma_start3A_22 = arith.constant 128 : i32
    %dma_start3A_23 = tpu.memref_slice %arg5[%dma_start3A_16, %dma_start3A_22] : memref<32x200xi32, #tpu.memory_space<vmem>> -> memref<1x72xi32, #tpu.memory_space<vmem>>
    %dma_start3A_24 = tpu.memref_squeeze %dma_start3A_23 : memref<1x72xi32, #tpu.memory_space<vmem>> -> memref<72xi32, #tpu.memory_space<vmem>>
    %dma_start3A_25 = arith.constant 0 : i32
    %dma_start3A_26 = arith.constant 0 : i32
    %dma_start3A_27 = tpu.memref_slice %arg3[%dma_start3A_25, %dma_start3A_26] : memref<1000000x128xf32, #tpu.memory_space<hbm>> -> memref<1000000x128xf32, #tpu.memory_space<hbm>>
    tpu.enqueue_indirect_dma source(%dma_start3A_27 : memref<1000000x128xf32, #tpu.memory_space<hbm>>) target(%dma_start3A_21 : memref<72x128xf32, #tpu.memory_space<vmem>>) offsets(%dma_start3A_24 : memref<72xi32, #tpu.memory_space<vmem>>) semaphore(%arg7 : memref<!tpu.dma_semaphore, #tpu.memory_space<semaphore_mem>>)
    %dma_start3A_28 = arith.constant 1 : i32
    %dma_start3A_29 = arith.constant 0 : i32
    %dma_start3A_30 = arith.constant 200 : i32
    %dma_start3A_31 = arith.constant 0 : i32
    %dma_start3A_32 = tpu.memref_slice %arg6[%dma_start3A_29, %dma_start3A_30, %dma_start3A_31] : memref<2x400x128xf32, #tpu.memory_space<vmem>> -> memref<1x128x128xf32, #tpu.memory_space<vmem>>
    %dma_start3A_33 = tpu.memref_squeeze %dma_start3A_32 : memref<1x128x128xf32, #tpu.memory_space<vmem>> -> memref<128x128xf32, #tpu.memory_space<vmem>>
    %dma_start3A_34 = arith.constant 0 : i32
    %dma_start3A_35 = tpu.memref_slice %arg5[%dma_start3A_28, %dma_start3A_34] : memref<32x200xi32, #tpu.memory_space<vmem>> -> memref<1x128xi32, #tpu.memory_space<vmem>>
    %dma_start3A_36 = tpu.memref_squeeze %dma_start3A_35 : memref<1x128xi32, #tpu.memory_space<vmem>> -> memref<128xi32, #tpu.memory_space<vmem>>
    %dma_start3A_37 = arith.constant 0 : i32
    %dma_start3A_38 = arith.constant 0 : i32
    %dma_start3A_39 = tpu.memref_slice %arg3[%dma_start3A_37, %dma_start3A_38] : memref<1000000x128xf32, #tpu.memory_space<hbm>> -> memref<1000000x128xf32, #tpu.memory_space<hbm>>
    tpu.enqueue_indirect_dma source(%dma_start3A_39 : memref<1000000x128xf32, #tpu.memory_space<hbm>>) target(%dma_start3A_33 : memref<128x128xf32, #tpu.memory_space<vmem>>) offsets(%dma_start3A_36 : memref<128xi32, #tpu.memory_space<vmem>>) semaphore(%arg7 : memref<!tpu.dma_semaphore, #tpu.memory_space<semaphore_mem>>)
    %dma_start3A_40 = arith.constant 1 : i32
    %dma_start3A_41 = arith.constant 0 : i32
    %dma_start3A_42 = arith.constant 328 : i32
    %dma_start3A_43 = arith.constant 0 : i32
    %dma_start3A_44 = tpu.memref_slice %arg6[%dma_start3A_41, %dma_start3A_42, %dma_start3A_43] : memref<2x400x128xf32, #tpu.memory_space<vmem>> -> memref<1x72x128xf32, #tpu.memory_space<vmem>>
    %dma_start3A_45 = tpu.memref_squeeze %dma_start3A_44 : memref<1x72x128xf32, #tpu.memory_space<vmem>> -> memref<72x128xf32, #tpu.memory_space<vmem>>
    %dma_start3A_46 = arith.constant 128 : i32
    %dma_start3A_47 = tpu.memref_slice %arg5[%dma_start3A_40, %dma_start3A_46] : memref<32x200xi32, #tpu.memory_space<vmem>> -> memref<1x72xi32, #tpu.memory_space<vmem>>
    %dma_start3A_48 = tpu.memref_squeeze %dma_start3A_47 : memref<1x72xi32, #tpu.memory_space<vmem>> -> memref<72xi32, #tpu.memory_space<vmem>>
    %dma_start3A_49 = arith.constant 0 : i32
    %dma_start3A_50 = arith.constant 0 : i32
    %dma_start3A_51 = tpu.memref_slice %arg3[%dma_start3A_49, %dma_start3A_50] : memref<1000000x128xf32, #tpu.memory_space<hbm>> -> memref<1000000x128xf32, #tpu.memory_space<hbm>>
    tpu.enqueue_indirect_dma source(%dma_start3A_51 : memref<1000000x128xf32, #tpu.memory_space<hbm>>) target(%dma_start3A_45 : memref<72x128xf32, #tpu.memory_space<vmem>>) offsets(%dma_start3A_48 : memref<72xi32, #tpu.memory_space<vmem>>) semaphore(%arg7 : memref<!tpu.dma_semaphore, #tpu.memory_space<semaphore_mem>>)
    %scan3A = arith.constant 0 : i32
    %scan3A_52 = arith.constant 0 : i32
    %scan3A_53 = arith.constant 16 : i32
    %scan3A_54 = arith.addi %scan3A_52, %scan3A_53 : i32
    %scan3A_55 = arith.constant 1 : i32
    scf.for %scan3A_86 = %scan3A_52 to %scan3A_54 step %scan3A_55  : i32 {
      %jit3A = arith.constant 2 : i32
      %eq3A = arith.constant 0 : i32
      %eq3A_87 = arith.cmpi eq, %jit3A, %eq3A : i32
      %jit3A_88 = arith.constant 1 : i32
      %select_n3A = arith.select %eq3A_87, %jit3A_88, %jit3A : i32
      %rem3A = arith.remsi %scan3A_86, %select_n3A : i32
      %ne3A = arith.constant 0 : i32
      %ne3A_89 = arith.cmpi ne, %rem3A, %ne3A : i32
      %lt3A = arith.constant 0 : i32
      %lt3A_90 = arith.cmpi slt, %rem3A, %lt3A : i32
      %lt3A_91 = arith.constant 0 : i32
      %lt3A_92 = arith.cmpi slt, %select_n3A, %lt3A_91 : i32
      %ne3A_93 = arith.xori %lt3A_90, %lt3A_92 : i1
      %and3A = arith.andi %ne3A_93, %ne3A_89 : i1
      %add3A_94 = arith.addi %rem3A, %select_n3A : i32
      %select_n3A_95 = arith.select %and3A, %add3A_94, %rem3A : i32
      %dma_wait3A_96 = arith.constant 0 : i32
      %dma_wait3A_97 = arith.constant 0 : i32
      %dma_wait3A_98 = tpu.memref_slice %arg6[%select_n3A_95, %dma_wait3A_96, %dma_wait3A_97] : memref<2x400x128xf32, #tpu.memory_space<vmem>> -> memref<1x400x128xf32, #tpu.memory_space<vmem>>
      %dma_wait3A_99 = tpu.memref_squeeze %dma_wait3A_98 : memref<1x400x128xf32, #tpu.memory_space<vmem>> -> memref<400x128xf32, #tpu.memory_space<vmem>>
      %dma_wait3A_100 = arith.constant 0 : i32
      %dma_wait3A_101 = arith.constant 0 : i32
      %dma_wait3A_102 = tpu.memref_slice %arg4[%dma_wait3A_100, %dma_wait3A_101] : memref<204800x128xf32, #tpu.memory_space<hbm>> -> memref<400x128xf32, #tpu.memory_space<hbm>>
      %dma_wait3A_103 = arith.constant 0 : i32
      %dma_wait3A_104 = arith.constant 0 : i32
      %dma_wait3A_105 = tpu.memref_slice %arg6[%select_n3A_95, %dma_wait3A_103, %dma_wait3A_104] : memref<2x400x128xf32, #tpu.memory_space<vmem>> -> memref<1x400x128xf32, #tpu.memory_space<vmem>>
      %dma_wait3A_106 = tpu.memref_squeeze %dma_wait3A_105 : memref<1x400x128xf32, #tpu.memory_space<vmem>> -> memref<400x128xf32, #tpu.memory_space<vmem>>
      %dma_wait3A_107 = arith.constant 0 : i32
      %dma_wait3A_108 = arith.constant 0 : i32
      %dma_wait3A_109 = tpu.memref_slice %arg4[%dma_wait3A_107, %dma_wait3A_108] : memref<204800x128xf32, #tpu.memory_space<hbm>> -> memref<400x128xf32, #tpu.memory_space<hbm>>
      tpu.wait_dma2 semaphore(%arg7 : memref<!tpu.dma_semaphore, #tpu.memory_space<semaphore_mem>>) src(%dma_wait3A_109 : memref<400x128xf32, #tpu.memory_space<hbm>>) dst(%dma_wait3A_106 : memref<400x128xf32, #tpu.memory_space<vmem>>)
      %add3A_110 = arith.constant 1 : i32
      %add3A_111 = arith.addi %scan3A_86, %add3A_110 : i32
      %lt3A_112 = arith.constant 16 : i32
      %lt3A_113 = arith.cmpi slt, %add3A_111, %lt3A_112 : i32
      %convert_element_type3A = arith.extui %lt3A_113 : i1 to i32
      %cond3A = arith.constant 0 : i32
      %cond3A_114 = arith.cmpi ne, %convert_element_type3A, %cond3A : i32
      scf.if %cond3A_114 {
        %ge3A = arith.constant 1 : i32
        %ge3A_132 = arith.cmpi sge, %scan3A_86, %ge3A : i32
        %convert_element_type3A_133 = arith.extui %ge3A_132 : i1 to i32
        %cond3A_134 = arith.constant 0 : i32
        %cond3A_135 = arith.cmpi ne, %convert_element_type3A_133, %cond3A_134 : i32
        scf.if %cond3A_135 {
          %sub3A_195 = arith.constant 1 : i32
          %sub3A_196 = arith.subi %sub3A_195, %select_n3A_95 : i32
          %dma_wait3A_197 = arith.constant 0 : i32
          %dma_wait3A_198 = arith.constant 0 : i32
          %dma_wait3A_199 = tpu.memref_slice %arg6[%sub3A_196, %dma_wait3A_197, %dma_wait3A_198] : memref<2x400x128xf32, #tpu.memory_space<vmem>> -> memref<1x400x128xf32, #tpu.memory_space<vmem>>
          %dma_wait3A_200 = tpu.memref_squeeze %dma_wait3A_199 : memref<1x400x128xf32, #tpu.memory_space<vmem>> -> memref<400x128xf32, #tpu.memory_space<vmem>>
          %dma_wait3A_201 = arith.constant 0 : i32
          %dma_wait3A_202 = arith.constant 0 : i32
          %dma_wait3A_203 = tpu.memref_slice %arg4[%dma_wait3A_201, %dma_wait3A_202] : memref<204800x128xf32, #tpu.memory_space<hbm>> -> memref<400x128xf32, #tpu.memory_space<hbm>>
          %dma_wait3A_204 = arith.constant 0 : i32
          %dma_wait3A_205 = arith.constant 0 : i32
          %dma_wait3A_206 = tpu.memref_slice %arg6[%sub3A_196, %dma_wait3A_204, %dma_wait3A_205] : memref<2x400x128xf32, #tpu.memory_space<vmem>> -> memref<1x400x128xf32, #tpu.memory_space<vmem>>
          %dma_wait3A_207 = tpu.memref_squeeze %dma_wait3A_206 : memref<1x400x128xf32, #tpu.memory_space<vmem>> -> memref<400x128xf32, #tpu.memory_space<vmem>>
          %dma_wait3A_208 = arith.constant 0 : i32
          %dma_wait3A_209 = arith.constant 0 : i32
          %dma_wait3A_210 = tpu.memref_slice %arg4[%dma_wait3A_208, %dma_wait3A_209] : memref<204800x128xf32, #tpu.memory_space<hbm>> -> memref<400x128xf32, #tpu.memory_space<hbm>>
          tpu.wait_dma2 semaphore(%arg8 : memref<!tpu.dma_semaphore, #tpu.memory_space<semaphore_mem>>) src(%dma_wait3A_210 : memref<400x128xf32, #tpu.memory_space<hbm>>) dst(%dma_wait3A_207 : memref<400x128xf32, #tpu.memory_space<vmem>>)
        } else {
        }
        %add3A_136 = arith.constant 1 : i32
        %add3A_137 = arith.addi %scan3A_86, %add3A_136 : i32
        %sub3A = arith.constant 1 : i32
        %sub3A_138 = arith.subi %sub3A, %select_n3A_95 : i32
        %mul3A_139 = arith.constant 2 : i32
        %mul3A_140 = arith.muli %add3A_137, %mul3A_139 : i32
        %add3A_141 = arith.constant 0 : i32
        %add3A_142 = arith.addi %mul3A_140, %add3A_141 : i32
        %dma_start3A_143 = arith.constant 0 : i32
        %dma_start3A_144 = arith.constant 0 : i32
        %dma_start3A_145 = tpu.memref_slice %arg6[%sub3A_138, %dma_start3A_143, %dma_start3A_144] : memref<2x400x128xf32, #tpu.memory_space<vmem>> -> memref<1x128x128xf32, #tpu.memory_space<vmem>>
        %dma_start3A_146 = tpu.memref_squeeze %dma_start3A_145 : memref<1x128x128xf32, #tpu.memory_space<vmem>> -> memref<128x128xf32, #tpu.memory_space<vmem>>
        %dma_start3A_147 = arith.constant 0 : i32
        %dma_start3A_148 = tpu.memref_slice %arg5[%add3A_142, %dma_start3A_147] : memref<32x200xi32, #tpu.memory_space<vmem>> -> memref<1x128xi32, #tpu.memory_space<vmem>>
        %dma_start3A_149 = tpu.memref_squeeze %dma_start3A_148 : memref<1x128xi32, #tpu.memory_space<vmem>> -> memref<128xi32, #tpu.memory_space<vmem>>
        %dma_start3A_150 = arith.constant 0 : i32
        %dma_start3A_151 = arith.constant 0 : i32
        %dma_start3A_152 = tpu.memref_slice %arg3[%dma_start3A_150, %dma_start3A_151] : memref<1000000x128xf32, #tpu.memory_space<hbm>> -> memref<1000000x128xf32, #tpu.memory_space<hbm>>
        tpu.enqueue_indirect_dma source(%dma_start3A_152 : memref<1000000x128xf32, #tpu.memory_space<hbm>>) target(%dma_start3A_146 : memref<128x128xf32, #tpu.memory_space<vmem>>) offsets(%dma_start3A_149 : memref<128xi32, #tpu.memory_space<vmem>>) semaphore(%arg7 : memref<!tpu.dma_semaphore, #tpu.memory_space<semaphore_mem>>)
        %mul3A_153 = arith.constant 2 : i32
        %mul3A_154 = arith.muli %add3A_137, %mul3A_153 : i32
        %add3A_155 = arith.constant 0 : i32
        %add3A_156 = arith.addi %mul3A_154, %add3A_155 : i32
        %dma_start3A_157 = arith.constant 128 : i32
        %dma_start3A_158 = arith.constant 0 : i32
        %dma_start3A_159 = tpu.memref_slice %arg6[%sub3A_138, %dma_start3A_157, %dma_start3A_158] : memref<2x400x128xf32, #tpu.memory_space<vmem>> -> memref<1x72x128xf32, #tpu.memory_space<vmem>>
        %dma_start3A_160 = tpu.memref_squeeze %dma_start3A_159 : memref<1x72x128xf32, #tpu.memory_space<vmem>> -> memref<72x128xf32, #tpu.memory_space<vmem>>
        %dma_start3A_161 = arith.constant 128 : i32
        %dma_start3A_162 = tpu.memref_slice %arg5[%add3A_156, %dma_start3A_161] : memref<32x200xi32, #tpu.memory_space<vmem>> -> memref<1x72xi32, #tpu.memory_space<vmem>>
        %dma_start3A_163 = tpu.memref_squeeze %dma_start3A_162 : memref<1x72xi32, #tpu.memory_space<vmem>> -> memref<72xi32, #tpu.memory_space<vmem>>
        %dma_start3A_164 = arith.constant 0 : i32
        %dma_start3A_165 = arith.constant 0 : i32
        %dma_start3A_166 = tpu.memref_slice %arg3[%dma_start3A_164, %dma_start3A_165] : memref<1000000x128xf32, #tpu.memory_space<hbm>> -> memref<1000000x128xf32, #tpu.memory_space<hbm>>
        tpu.enqueue_indirect_dma source(%dma_start3A_166 : memref<1000000x128xf32, #tpu.memory_space<hbm>>) target(%dma_start3A_160 : memref<72x128xf32, #tpu.memory_space<vmem>>) offsets(%dma_start3A_163 : memref<72xi32, #tpu.memory_space<vmem>>) semaphore(%arg7 : memref<!tpu.dma_semaphore, #tpu.memory_space<semaphore_mem>>)
        %mul3A_167 = arith.constant 2 : i32
        %mul3A_168 = arith.muli %add3A_137, %mul3A_167 : i32
        %add3A_169 = arith.constant 1 : i32
        %add3A_170 = arith.addi %mul3A_168, %add3A_169 : i32
        %dma_start3A_171 = arith.constant 200 : i32
        %dma_start3A_172 = arith.constant 0 : i32
        %dma_start3A_173 = tpu.memref_slice %arg6[%sub3A_138, %dma_start3A_171, %dma_start3A_172] : memref<2x400x128xf32, #tpu.memory_space<vmem>> -> memref<1x128x128xf32, #tpu.memory_space<vmem>>
        %dma_start3A_174 = tpu.memref_squeeze %dma_start3A_173 : memref<1x128x128xf32, #tpu.memory_space<vmem>> -> memref<128x128xf32, #tpu.memory_space<vmem>>
        %dma_start3A_175 = arith.constant 0 : i32
        %dma_start3A_176 = tpu.memref_slice %arg5[%add3A_170, %dma_start3A_175] : memref<32x200xi32, #tpu.memory_space<vmem>> -> memref<1x128xi32, #tpu.memory_space<vmem>>
        %dma_start3A_177 = tpu.memref_squeeze %dma_start3A_176 : memref<1x128xi32, #tpu.memory_space<vmem>> -> memref<128xi32, #tpu.memory_space<vmem>>
        %dma_start3A_178 = arith.constant 0 : i32
        %dma_start3A_179 = arith.constant 0 : i32
        %dma_start3A_180 = tpu.memref_slice %arg3[%dma_start3A_178, %dma_start3A_179] : memref<1000000x128xf32, #tpu.memory_space<hbm>> -> memref<1000000x128xf32, #tpu.memory_space<hbm>>
        tpu.enqueue_indirect_dma source(%dma_start3A_180 : memref<1000000x128xf32, #tpu.memory_space<hbm>>) target(%dma_start3A_174 : memref<128x128xf32, #tpu.memory_space<vmem>>) offsets(%dma_start3A_177 : memref<128xi32, #tpu.memory_space<vmem>>) semaphore(%arg7 : memref<!tpu.dma_semaphore, #tpu.memory_space<semaphore_mem>>)
        %mul3A_181 = arith.constant 2 : i32
        %mul3A_182 = arith.muli %add3A_137, %mul3A_181 : i32
        %add3A_183 = arith.constant 1 : i32
        %add3A_184 = arith.addi %mul3A_182, %add3A_183 : i32
        %dma_start3A_185 = arith.constant 328 : i32
        %dma_start3A_186 = arith.constant 0 : i32
        %dma_start3A_187 = tpu.memref_slice %arg6[%sub3A_138, %dma_start3A_185, %dma_start3A_186] : memref<2x400x128xf32, #tpu.memory_space<vmem>> -> memref<1x72x128xf32, #tpu.memory_space<vmem>>
        %dma_start3A_188 = tpu.memref_squeeze %dma_start3A_187 : memref<1x72x128xf32, #tpu.memory_space<vmem>> -> memref<72x128xf32, #tpu.memory_space<vmem>>
        %dma_start3A_189 = arith.constant 128 : i32
        %dma_start3A_190 = tpu.memref_slice %arg5[%add3A_184, %dma_start3A_189] : memref<32x200xi32, #tpu.memory_space<vmem>> -> memref<1x72xi32, #tpu.memory_space<vmem>>
        %dma_start3A_191 = tpu.memref_squeeze %dma_start3A_190 : memref<1x72xi32, #tpu.memory_space<vmem>> -> memref<72xi32, #tpu.memory_space<vmem>>
        %dma_start3A_192 = arith.constant 0 : i32
        %dma_start3A_193 = arith.constant 0 : i32
        %dma_start3A_194 = tpu.memref_slice %arg3[%dma_start3A_192, %dma_start3A_193] : memref<1000000x128xf32, #tpu.memory_space<hbm>> -> memref<1000000x128xf32, #tpu.memory_space<hbm>>
        tpu.enqueue_indirect_dma source(%dma_start3A_194 : memref<1000000x128xf32, #tpu.memory_space<hbm>>) target(%dma_start3A_188 : memref<72x128xf32, #tpu.memory_space<vmem>>) offsets(%dma_start3A_191 : memref<72xi32, #tpu.memory_space<vmem>>) semaphore(%arg7 : memref<!tpu.dma_semaphore, #tpu.memory_space<semaphore_mem>>)
      } else {
      }
      %mul3A_115 = arith.constant 2 : i32
      %mul3A_116 = arith.muli %scan3A_86, %mul3A_115 : i32
      %add3A_117 = arith.addi %mul3A_2, %mul3A_116 : i32
      %mul3A_118 = arith.constant 200 : i32
      %mul3A_119 = arith.muli %add3A_117, %mul3A_118 : i32
      %dma_start3A_120 = arith.constant 0 : i32
      %dma_start3A_121 = arith.constant 0 : i32
      %dma_start3A_122 = tpu.memref_slice %arg6[%select_n3A_95, %dma_start3A_120, %dma_start3A_121] : memref<2x400x128xf32, #tpu.memory_space<vmem>> -> memref<1x400x128xf32, #tpu.memory_space<vmem>>
      %dma_start3A_123 = tpu.memref_squeeze %dma_start3A_122 : memref<1x400x128xf32, #tpu.memory_space<vmem>> -> memref<400x128xf32, #tpu.memory_space<vmem>>
      %dma_start3A_124 = arith.constant 0 : i32
      %dma_start3A_125 = tpu.memref_slice %arg4[%mul3A_119, %dma_start3A_124] : memref<204800x128xf32, #tpu.memory_space<hbm>> -> memref<400x128xf32, #tpu.memory_space<hbm>>
      %dma_start3A_126 = arith.constant 0 : i32
      %dma_start3A_127 = tpu.memref_slice %arg4[%mul3A_119, %dma_start3A_126] : memref<204800x128xf32, #tpu.memory_space<hbm>> -> memref<400x128xf32, #tpu.memory_space<hbm>>
      %dma_start3A_128 = arith.constant 0 : i32
      %dma_start3A_129 = arith.constant 0 : i32
      %dma_start3A_130 = tpu.memref_slice %arg6[%select_n3A_95, %dma_start3A_128, %dma_start3A_129] : memref<2x400x128xf32, #tpu.memory_space<vmem>> -> memref<1x400x128xf32, #tpu.memory_space<vmem>>
      %dma_start3A_131 = tpu.memref_squeeze %dma_start3A_130 : memref<1x400x128xf32, #tpu.memory_space<vmem>> -> memref<400x128xf32, #tpu.memory_space<vmem>>
      tpu.enqueue_dma source(%dma_start3A_131 : memref<400x128xf32, #tpu.memory_space<vmem>>) target(%dma_start3A_127 : memref<400x128xf32, #tpu.memory_space<hbm>>) target_semaphore(%arg8 : memref<!tpu.dma_semaphore, #tpu.memory_space<semaphore_mem>>)
    }
    %scan3A_56 = arith.constant 16 : i32
    %dma_wait3A = arith.constant 0 : i32
    %dma_wait3A_57 = arith.constant 0 : i32
    %dma_wait3A_58 = arith.constant 0 : i32
    %dma_wait3A_59 = tpu.memref_slice %arg6[%dma_wait3A, %dma_wait3A_57, %dma_wait3A_58] : memref<2x400x128xf32, #tpu.memory_space<vmem>> -> memref<1x400x128xf32, #tpu.memory_space<vmem>>
    %dma_wait3A_60 = tpu.memref_squeeze %dma_wait3A_59 : memref<1x400x128xf32, #tpu.memory_space<vmem>> -> memref<400x128xf32, #tpu.memory_space<vmem>>
    %dma_wait3A_61 = arith.constant 0 : i32
    %dma_wait3A_62 = arith.constant 0 : i32
    %dma_wait3A_63 = tpu.memref_slice %arg4[%dma_wait3A_61, %dma_wait3A_62] : memref<204800x128xf32, #tpu.memory_space<hbm>> -> memref<400x128xf32, #tpu.memory_space<hbm>>
    %dma_wait3A_64 = arith.constant 0 : i32
    %dma_wait3A_65 = arith.constant 0 : i32
    %dma_wait3A_66 = tpu.memref_slice %arg6[%dma_wait3A, %dma_wait3A_64, %dma_wait3A_65] : memref<2x400x128xf32, #tpu.memory_space<vmem>> -> memref<1x400x128xf32, #tpu.memory_space<vmem>>
    %dma_wait3A_67 = tpu.memref_squeeze %dma_wait3A_66 : memref<1x400x128xf32, #tpu.memory_space<vmem>> -> memref<400x128xf32, #tpu.memory_space<vmem>>
    %dma_wait3A_68 = arith.constant 0 : i32
    %dma_wait3A_69 = arith.constant 0 : i32
    %dma_wait3A_70 = tpu.memref_slice %arg4[%dma_wait3A_68, %dma_wait3A_69] : memref<204800x128xf32, #tpu.memory_space<hbm>> -> memref<400x128xf32, #tpu.memory_space<hbm>>
    tpu.wait_dma2 semaphore(%arg8 : memref<!tpu.dma_semaphore, #tpu.memory_space<semaphore_mem>>) src(%dma_wait3A_70 : memref<400x128xf32, #tpu.memory_space<hbm>>) dst(%dma_wait3A_67 : memref<400x128xf32, #tpu.memory_space<vmem>>)
    %dma_wait3A_71 = arith.constant 1 : i32
    %dma_wait3A_72 = arith.constant 0 : i32
    %dma_wait3A_73 = arith.constant 0 : i32
    %dma_wait3A_74 = tpu.memref_slice %arg6[%dma_wait3A_71, %dma_wait3A_72, %dma_wait3A_73] : memref<2x400x128xf32, #tpu.memory_space<vmem>> -> memref<1x400x128xf32, #tpu.memory_space<vmem>>
    %dma_wait3A_75 = tpu.memref_squeeze %dma_wait3A_74 : memref<1x400x128xf32, #tpu.memory_space<vmem>> -> memref<400x128xf32, #tpu.memory_space<vmem>>
    %dma_wait3A_76 = arith.constant 0 : i32
    %dma_wait3A_77 = arith.constant 0 : i32
    %dma_wait3A_78 = tpu.memref_slice %arg4[%dma_wait3A_76, %dma_wait3A_77] : memref<204800x128xf32, #tpu.memory_space<hbm>> -> memref<400x128xf32, #tpu.memory_space<hbm>>
    %dma_wait3A_79 = arith.constant 0 : i32
    %dma_wait3A_80 = arith.constant 0 : i32
    %dma_wait3A_81 = tpu.memref_slice %arg6[%dma_wait3A_71, %dma_wait3A_79, %dma_wait3A_80] : memref<2x400x128xf32, #tpu.memory_space<vmem>> -> memref<1x400x128xf32, #tpu.memory_space<vmem>>
    %dma_wait3A_82 = tpu.memref_squeeze %dma_wait3A_81 : memref<1x400x128xf32, #tpu.memory_space<vmem>> -> memref<400x128xf32, #tpu.memory_space<vmem>>
    %dma_wait3A_83 = arith.constant 0 : i32
    %dma_wait3A_84 = arith.constant 0 : i32
    %dma_wait3A_85 = tpu.memref_slice %arg4[%dma_wait3A_83, %dma_wait3A_84] : memref<204800x128xf32, #tpu.memory_space<hbm>> -> memref<400x128xf32, #tpu.memory_space<hbm>>
    tpu.wait_dma2 semaphore(%arg8 : memref<!tpu.dma_semaphore, #tpu.memory_space<semaphore_mem>>) src(%dma_wait3A_85 : memref<400x128xf32, #tpu.memory_space<hbm>>) dst(%dma_wait3A_82 : memref<400x128xf32, #tpu.memory_space<vmem>>)
    return
  }
}

#map = affine_map<(d0, d1) -> (0, 0)>
module attributes {stable_mosaic.version = 14 : i64} {
  func.func @k(%arg0: i32, %arg1: i32, %arg2: memref<4096x200xi32, #tpu.memory_space<hbm>>, %arg3: memref<1000000x128xf32, #tpu.memory_space<hbm>>, %arg4: memref<204800x128xf32, #tpu.memory_space<hbm>>, %arg5: memref<32x200xi32, #tpu.memory_space<vmem>>, %arg6: memref<2x400x128xf32, #tpu.memory_space<vmem>>, %arg7: memref<!tpu.dma_semaphore, #tpu.memory_space<semaphore_mem>>, %arg8: memref<!tpu.dma_semaphore, #tpu.memory_space<semaphore_mem>>) attributes {dimension_semantics = [#tpu.dimension_semantics<core_parallel>, #tpu.dimension_semantics<subcore_parallel>], iteration_bounds = array<i64: 2, 16>, scalar_prefetch = 0 : i64, scratch_operands = 4 : i64, tpu.core_type = #tpu.core_type<sc_vector_subcore>, window_params = [{transform_indices = #map}, {transform_indices = #map}, {transform_indices = #map}]} {
    %mul3A = arith.constant 2 : i32
    %mul3A_0 = arith.muli %arg1, %mul3A : i32
    %add3A = arith.addi %mul3A_0, %arg0 : i32
    %mul3A_1 = arith.constant 32 : i32
    %mul3A_2 = arith.muli %add3A, %mul3A_1 : i32
    %add3A_3 = arith.constant 1024 : i32
    %add3A_4 = arith.addi %add3A_3, %mul3A_2 : i32
    "tpu.region"() ({
      %run_scoped3A = tpu.sem_alloc : memref<!tpu.dma_semaphore, #tpu.memory_space<semaphore_mem>>
      %dma_start3A_86 = arith.constant 0 : i32
      %dma_start3A_87 = tpu.memref_slice %arg2[%add3A_4, %dma_start3A_86] : memref<4096x200xi32, #tpu.memory_space<hbm>> -> memref<32x200xi32, #tpu.memory_space<hbm>>
      %dma_start3A_88 = arith.constant 0 : i32
      %dma_start3A_89 = tpu.memref_slice %arg2[%add3A_4, %dma_start3A_88] : memref<4096x200xi32, #tpu.memory_space<hbm>> -> memref<32x200xi32, #tpu.memory_space<hbm>>
      tpu.enqueue_dma source(%dma_start3A_89 : memref<32x200xi32, #tpu.memory_space<hbm>>) target(%arg5 : memref<32x200xi32, #tpu.memory_space<vmem>>) target_semaphore(%run_scoped3A : memref<!tpu.dma_semaphore, #tpu.memory_space<semaphore_mem>>)
      %dma_wait3A_90 = arith.constant 0 : i32
      %dma_wait3A_91 = tpu.memref_slice %arg2[%add3A_4, %dma_wait3A_90] : memref<4096x200xi32, #tpu.memory_space<hbm>> -> memref<32x200xi32, #tpu.memory_space<hbm>>
      %dma_wait3A_92 = arith.constant 0 : i32
      %dma_wait3A_93 = tpu.memref_slice %arg2[%add3A_4, %dma_wait3A_92] : memref<4096x200xi32, #tpu.memory_space<hbm>> -> memref<32x200xi32, #tpu.memory_space<hbm>>
      tpu.wait_dma2 semaphore(%run_scoped3A : memref<!tpu.dma_semaphore, #tpu.memory_space<semaphore_mem>>) src(%dma_wait3A_93 : memref<32x200xi32, #tpu.memory_space<hbm>>) dst(%arg5 : memref<32x200xi32, #tpu.memory_space<vmem>>)
      tpu.yield
    }) : () -> ()
    %dma_start3A = arith.constant 0 : i32
    %dma_start3A_5 = arith.constant 0 : i32
    %dma_start3A_6 = arith.constant 0 : i32
    %dma_start3A_7 = arith.constant 0 : i32
    %dma_start3A_8 = tpu.memref_slice %arg6[%dma_start3A_5, %dma_start3A_6, %dma_start3A_7] : memref<2x400x128xf32, #tpu.memory_space<vmem>> -> memref<1x128x128xf32, #tpu.memory_space<vmem>>
    %dma_start3A_9 = tpu.memref_squeeze %dma_start3A_8 : memref<1x128x128xf32, #tpu.memory_space<vmem>> -> memref<128x128xf32, #tpu.memory_space<vmem>>
    %dma_start3A_10 = arith.constant 0 : i32
    %dma_start3A_11 = tpu.memref_slice %arg5[%dma_start3A, %dma_start3A_10] : memref<32x200xi32, #tpu.memory_space<vmem>> -> memref<1x128xi32, #tpu.memory_space<vmem>>
    %dma_start3A_12 = tpu.memref_squeeze %dma_start3A_11 : memref<1x128xi32, #tpu.memory_space<vmem>> -> memref<128xi32, #tpu.memory_space<vmem>>
    %dma_start3A_13 = arith.constant 0 : i32
    %dma_start3A_14 = arith.constant 0 : i32
    %dma_start3A_15 = tpu.memref_slice %arg3[%dma_start3A_13, %dma_start3A_14] : memref<1000000x128xf32, #tpu.memory_space<hbm>> -> memref<1000000x128xf32, #tpu.memory_space<hbm>>
    tpu.enqueue_indirect_dma source(%dma_start3A_15 : memref<1000000x128xf32, #tpu.memory_space<hbm>>) target(%dma_start3A_9 : memref<128x128xf32, #tpu.memory_space<vmem>>) offsets(%dma_start3A_12 : memref<128xi32, #tpu.memory_space<vmem>>) semaphore(%arg7 : memref<!tpu.dma_semaphore, #tpu.memory_space<semaphore_mem>>)
    %dma_start3A_16 = arith.constant 0 : i32
    %dma_start3A_17 = arith.constant 0 : i32
    %dma_start3A_18 = arith.constant 128 : i32
    %dma_start3A_19 = arith.constant 0 : i32
    %dma_start3A_20 = tpu.memref_slice %arg6[%dma_start3A_17, %dma_start3A_18, %dma_start3A_19] : memref<2x400x128xf32, #tpu.memory_space<vmem>> -> memref<1x72x128xf32, #tpu.memory_space<vmem>>
    %dma_start3A_21 = tpu.memref_squeeze %dma_start3A_20 : memref<1x72x128xf32, #tpu.memory_space<vmem>> -> memref<72x128xf32, #tpu.memory_space<vmem>>
    %dma_start3A_22 = arith.constant 128 : i32
    %dma_start3A_23 = tpu.memref_slice %arg5[%dma_start3A_16, %dma_start3A_22] : memref<32x200xi32, #tpu.memory_space<vmem>> -> memref<1x72xi32, #tpu.memory_space<vmem>>
    %dma_start3A_24 = tpu.memref_squeeze %dma_start3A_23 : memref<1x72xi32, #tpu.memory_space<vmem>> -> memref<72xi32, #tpu.memory_space<vmem>>
    %dma_start3A_25 = arith.constant 0 : i32
    %dma_start3A_26 = arith.constant 0 : i32
    %dma_start3A_27 = tpu.memref_slice %arg3[%dma_start3A_25, %dma_start3A_26] : memref<1000000x128xf32, #tpu.memory_space<hbm>> -> memref<1000000x128xf32, #tpu.memory_space<hbm>>
    tpu.enqueue_indirect_dma source(%dma_start3A_27 : memref<1000000x128xf32, #tpu.memory_space<hbm>>) target(%dma_start3A_21 : memref<72x128xf32, #tpu.memory_space<vmem>>) offsets(%dma_start3A_24 : memref<72xi32, #tpu.memory_space<vmem>>) semaphore(%arg7 : memref<!tpu.dma_semaphore, #tpu.memory_space<semaphore_mem>>)
    %dma_start3A_28 = arith.constant 1 : i32
    %dma_start3A_29 = arith.constant 0 : i32
    %dma_start3A_30 = arith.constant 200 : i32
    %dma_start3A_31 = arith.constant 0 : i32
    %dma_start3A_32 = tpu.memref_slice %arg6[%dma_start3A_29, %dma_start3A_30, %dma_start3A_31] : memref<2x400x128xf32, #tpu.memory_space<vmem>> -> memref<1x128x128xf32, #tpu.memory_space<vmem>>
    %dma_start3A_33 = tpu.memref_squeeze %dma_start3A_32 : memref<1x128x128xf32, #tpu.memory_space<vmem>> -> memref<128x128xf32, #tpu.memory_space<vmem>>
    %dma_start3A_34 = arith.constant 0 : i32
    %dma_start3A_35 = tpu.memref_slice %arg5[%dma_start3A_28, %dma_start3A_34] : memref<32x200xi32, #tpu.memory_space<vmem>> -> memref<1x128xi32, #tpu.memory_space<vmem>>
    %dma_start3A_36 = tpu.memref_squeeze %dma_start3A_35 : memref<1x128xi32, #tpu.memory_space<vmem>> -> memref<128xi32, #tpu.memory_space<vmem>>
    %dma_start3A_37 = arith.constant 0 : i32
    %dma_start3A_38 = arith.constant 0 : i32
    %dma_start3A_39 = tpu.memref_slice %arg3[%dma_start3A_37, %dma_start3A_38] : memref<1000000x128xf32, #tpu.memory_space<hbm>> -> memref<1000000x128xf32, #tpu.memory_space<hbm>>
    tpu.enqueue_indirect_dma source(%dma_start3A_39 : memref<1000000x128xf32, #tpu.memory_space<hbm>>) target(%dma_start3A_33 : memref<128x128xf32, #tpu.memory_space<vmem>>) offsets(%dma_start3A_36 : memref<128xi32, #tpu.memory_space<vmem>>) semaphore(%arg7 : memref<!tpu.dma_semaphore, #tpu.memory_space<semaphore_mem>>)
    %dma_start3A_40 = arith.constant 1 : i32
    %dma_start3A_41 = arith.constant 0 : i32
    %dma_start3A_42 = arith.constant 328 : i32
    %dma_start3A_43 = arith.constant 0 : i32
    %dma_start3A_44 = tpu.memref_slice %arg6[%dma_start3A_41, %dma_start3A_42, %dma_start3A_43] : memref<2x400x128xf32, #tpu.memory_space<vmem>> -> memref<1x72x128xf32, #tpu.memory_space<vmem>>
    %dma_start3A_45 = tpu.memref_squeeze %dma_start3A_44 : memref<1x72x128xf32, #tpu.memory_space<vmem>> -> memref<72x128xf32, #tpu.memory_space<vmem>>
    %dma_start3A_46 = arith.constant 128 : i32
    %dma_start3A_47 = tpu.memref_slice %arg5[%dma_start3A_40, %dma_start3A_46] : memref<32x200xi32, #tpu.memory_space<vmem>> -> memref<1x72xi32, #tpu.memory_space<vmem>>
    %dma_start3A_48 = tpu.memref_squeeze %dma_start3A_47 : memref<1x72xi32, #tpu.memory_space<vmem>> -> memref<72xi32, #tpu.memory_space<vmem>>
    %dma_start3A_49 = arith.constant 0 : i32
    %dma_start3A_50 = arith.constant 0 : i32
    %dma_start3A_51 = tpu.memref_slice %arg3[%dma_start3A_49, %dma_start3A_50] : memref<1000000x128xf32, #tpu.memory_space<hbm>> -> memref<1000000x128xf32, #tpu.memory_space<hbm>>
    tpu.enqueue_indirect_dma source(%dma_start3A_51 : memref<1000000x128xf32, #tpu.memory_space<hbm>>) target(%dma_start3A_45 : memref<72x128xf32, #tpu.memory_space<vmem>>) offsets(%dma_start3A_48 : memref<72xi32, #tpu.memory_space<vmem>>) semaphore(%arg7 : memref<!tpu.dma_semaphore, #tpu.memory_space<semaphore_mem>>)
    %scan3A = arith.constant 0 : i32
    %scan3A_52 = arith.constant 0 : i32
    %scan3A_53 = arith.constant 16 : i32
    %scan3A_54 = arith.addi %scan3A_52, %scan3A_53 : i32
    %scan3A_55 = arith.constant 1 : i32
    scf.for %scan3A_86 = %scan3A_52 to %scan3A_54 step %scan3A_55  : i32 {
      %jit3A = arith.constant 2 : i32
      %eq3A = arith.constant 0 : i32
      %eq3A_87 = arith.cmpi eq, %jit3A, %eq3A : i32
      %jit3A_88 = arith.constant 1 : i32
      %select_n3A = arith.select %eq3A_87, %jit3A_88, %jit3A : i32
      %rem3A = arith.remsi %scan3A_86, %select_n3A : i32
      %ne3A = arith.constant 0 : i32
      %ne3A_89 = arith.cmpi ne, %rem3A, %ne3A : i32
      %lt3A = arith.constant 0 : i32
      %lt3A_90 = arith.cmpi slt, %rem3A, %lt3A : i32
      %lt3A_91 = arith.constant 0 : i32
      %lt3A_92 = arith.cmpi slt, %select_n3A, %lt3A_91 : i32
      %ne3A_93 = arith.xori %lt3A_90, %lt3A_92 : i1
      %and3A = arith.andi %ne3A_93, %ne3A_89 : i1
      %add3A_94 = arith.addi %rem3A, %select_n3A : i32
      %select_n3A_95 = arith.select %and3A, %add3A_94, %rem3A : i32
      %dma_wait3A_96 = arith.constant 0 : i32
      %dma_wait3A_97 = arith.constant 0 : i32
      %dma_wait3A_98 = tpu.memref_slice %arg6[%select_n3A_95, %dma_wait3A_96, %dma_wait3A_97] : memref<2x400x128xf32, #tpu.memory_space<vmem>> -> memref<1x400x128xf32, #tpu.memory_space<vmem>>
      %dma_wait3A_99 = tpu.memref_squeeze %dma_wait3A_98 : memref<1x400x128xf32, #tpu.memory_space<vmem>> -> memref<400x128xf32, #tpu.memory_space<vmem>>
      %dma_wait3A_100 = arith.constant 0 : i32
      %dma_wait3A_101 = arith.constant 0 : i32
      %dma_wait3A_102 = tpu.memref_slice %arg4[%dma_wait3A_100, %dma_wait3A_101] : memref<204800x128xf32, #tpu.memory_space<hbm>> -> memref<400x128xf32, #tpu.memory_space<hbm>>
      %dma_wait3A_103 = arith.constant 0 : i32
      %dma_wait3A_104 = arith.constant 0 : i32
      %dma_wait3A_105 = tpu.memref_slice %arg6[%select_n3A_95, %dma_wait3A_103, %dma_wait3A_104] : memref<2x400x128xf32, #tpu.memory_space<vmem>> -> memref<1x400x128xf32, #tpu.memory_space<vmem>>
      %dma_wait3A_106 = tpu.memref_squeeze %dma_wait3A_105 : memref<1x400x128xf32, #tpu.memory_space<vmem>> -> memref<400x128xf32, #tpu.memory_space<vmem>>
      %dma_wait3A_107 = arith.constant 0 : i32
      %dma_wait3A_108 = arith.constant 0 : i32
      %dma_wait3A_109 = tpu.memref_slice %arg4[%dma_wait3A_107, %dma_wait3A_108] : memref<204800x128xf32, #tpu.memory_space<hbm>> -> memref<400x128xf32, #tpu.memory_space<hbm>>
      tpu.wait_dma2 semaphore(%arg7 : memref<!tpu.dma_semaphore, #tpu.memory_space<semaphore_mem>>) src(%dma_wait3A_109 : memref<400x128xf32, #tpu.memory_space<hbm>>) dst(%dma_wait3A_106 : memref<400x128xf32, #tpu.memory_space<vmem>>)
      %add3A_110 = arith.constant 1 : i32
      %add3A_111 = arith.addi %scan3A_86, %add3A_110 : i32
      %lt3A_112 = arith.constant 16 : i32
      %lt3A_113 = arith.cmpi slt, %add3A_111, %lt3A_112 : i32
      %convert_element_type3A = arith.extui %lt3A_113 : i1 to i32
      %cond3A = arith.constant 0 : i32
      %cond3A_114 = arith.cmpi ne, %convert_element_type3A, %cond3A : i32
      scf.if %cond3A_114 {
        %ge3A = arith.constant 1 : i32
        %ge3A_132 = arith.cmpi sge, %scan3A_86, %ge3A : i32
        %convert_element_type3A_133 = arith.extui %ge3A_132 : i1 to i32
        %cond3A_134 = arith.constant 0 : i32
        %cond3A_135 = arith.cmpi ne, %convert_element_type3A_133, %cond3A_134 : i32
        scf.if %cond3A_135 {
          %sub3A_195 = arith.constant 1 : i32
          %sub3A_196 = arith.subi %sub3A_195, %select_n3A_95 : i32
          %dma_wait3A_197 = arith.constant 0 : i32
          %dma_wait3A_198 = arith.constant 0 : i32
          %dma_wait3A_199 = tpu.memref_slice %arg6[%sub3A_196, %dma_wait3A_197, %dma_wait3A_198] : memref<2x400x128xf32, #tpu.memory_space<vmem>> -> memref<1x400x128xf32, #tpu.memory_space<vmem>>
          %dma_wait3A_200 = tpu.memref_squeeze %dma_wait3A_199 : memref<1x400x128xf32, #tpu.memory_space<vmem>> -> memref<400x128xf32, #tpu.memory_space<vmem>>
          %dma_wait3A_201 = arith.constant 0 : i32
          %dma_wait3A_202 = arith.constant 0 : i32
          %dma_wait3A_203 = tpu.memref_slice %arg4[%dma_wait3A_201, %dma_wait3A_202] : memref<204800x128xf32, #tpu.memory_space<hbm>> -> memref<400x128xf32, #tpu.memory_space<hbm>>
          %dma_wait3A_204 = arith.constant 0 : i32
          %dma_wait3A_205 = arith.constant 0 : i32
          %dma_wait3A_206 = tpu.memref_slice %arg6[%sub3A_196, %dma_wait3A_204, %dma_wait3A_205] : memref<2x400x128xf32, #tpu.memory_space<vmem>> -> memref<1x400x128xf32, #tpu.memory_space<vmem>>
          %dma_wait3A_207 = tpu.memref_squeeze %dma_wait3A_206 : memref<1x400x128xf32, #tpu.memory_space<vmem>> -> memref<400x128xf32, #tpu.memory_space<vmem>>
          %dma_wait3A_208 = arith.constant 0 : i32
          %dma_wait3A_209 = arith.constant 0 : i32
          %dma_wait3A_210 = tpu.memref_slice %arg4[%dma_wait3A_208, %dma_wait3A_209] : memref<204800x128xf32, #tpu.memory_space<hbm>> -> memref<400x128xf32, #tpu.memory_space<hbm>>
          tpu.wait_dma2 semaphore(%arg8 : memref<!tpu.dma_semaphore, #tpu.memory_space<semaphore_mem>>) src(%dma_wait3A_210 : memref<400x128xf32, #tpu.memory_space<hbm>>) dst(%dma_wait3A_207 : memref<400x128xf32, #tpu.memory_space<vmem>>)
        } else {
        }
        %add3A_136 = arith.constant 1 : i32
        %add3A_137 = arith.addi %scan3A_86, %add3A_136 : i32
        %sub3A = arith.constant 1 : i32
        %sub3A_138 = arith.subi %sub3A, %select_n3A_95 : i32
        %mul3A_139 = arith.constant 2 : i32
        %mul3A_140 = arith.muli %add3A_137, %mul3A_139 : i32
        %add3A_141 = arith.constant 0 : i32
        %add3A_142 = arith.addi %mul3A_140, %add3A_141 : i32
        %dma_start3A_143 = arith.constant 0 : i32
        %dma_start3A_144 = arith.constant 0 : i32
        %dma_start3A_145 = tpu.memref_slice %arg6[%sub3A_138, %dma_start3A_143, %dma_start3A_144] : memref<2x400x128xf32, #tpu.memory_space<vmem>> -> memref<1x128x128xf32, #tpu.memory_space<vmem>>
        %dma_start3A_146 = tpu.memref_squeeze %dma_start3A_145 : memref<1x128x128xf32, #tpu.memory_space<vmem>> -> memref<128x128xf32, #tpu.memory_space<vmem>>
        %dma_start3A_147 = arith.constant 0 : i32
        %dma_start3A_148 = tpu.memref_slice %arg5[%add3A_142, %dma_start3A_147] : memref<32x200xi32, #tpu.memory_space<vmem>> -> memref<1x128xi32, #tpu.memory_space<vmem>>
        %dma_start3A_149 = tpu.memref_squeeze %dma_start3A_148 : memref<1x128xi32, #tpu.memory_space<vmem>> -> memref<128xi32, #tpu.memory_space<vmem>>
        %dma_start3A_150 = arith.constant 0 : i32
        %dma_start3A_151 = arith.constant 0 : i32
        %dma_start3A_152 = tpu.memref_slice %arg3[%dma_start3A_150, %dma_start3A_151] : memref<1000000x128xf32, #tpu.memory_space<hbm>> -> memref<1000000x128xf32, #tpu.memory_space<hbm>>
        tpu.enqueue_indirect_dma source(%dma_start3A_152 : memref<1000000x128xf32, #tpu.memory_space<hbm>>) target(%dma_start3A_146 : memref<128x128xf32, #tpu.memory_space<vmem>>) offsets(%dma_start3A_149 : memref<128xi32, #tpu.memory_space<vmem>>) semaphore(%arg7 : memref<!tpu.dma_semaphore, #tpu.memory_space<semaphore_mem>>)
        %mul3A_153 = arith.constant 2 : i32
        %mul3A_154 = arith.muli %add3A_137, %mul3A_153 : i32
        %add3A_155 = arith.constant 0 : i32
        %add3A_156 = arith.addi %mul3A_154, %add3A_155 : i32
        %dma_start3A_157 = arith.constant 128 : i32
        %dma_start3A_158 = arith.constant 0 : i32
        %dma_start3A_159 = tpu.memref_slice %arg6[%sub3A_138, %dma_start3A_157, %dma_start3A_158] : memref<2x400x128xf32, #tpu.memory_space<vmem>> -> memref<1x72x128xf32, #tpu.memory_space<vmem>>
        %dma_start3A_160 = tpu.memref_squeeze %dma_start3A_159 : memref<1x72x128xf32, #tpu.memory_space<vmem>> -> memref<72x128xf32, #tpu.memory_space<vmem>>
        %dma_start3A_161 = arith.constant 128 : i32
        %dma_start3A_162 = tpu.memref_slice %arg5[%add3A_156, %dma_start3A_161] : memref<32x200xi32, #tpu.memory_space<vmem>> -> memref<1x72xi32, #tpu.memory_space<vmem>>
        %dma_start3A_163 = tpu.memref_squeeze %dma_start3A_162 : memref<1x72xi32, #tpu.memory_space<vmem>> -> memref<72xi32, #tpu.memory_space<vmem>>
        %dma_start3A_164 = arith.constant 0 : i32
        %dma_start3A_165 = arith.constant 0 : i32
        %dma_start3A_166 = tpu.memref_slice %arg3[%dma_start3A_164, %dma_start3A_165] : memref<1000000x128xf32, #tpu.memory_space<hbm>> -> memref<1000000x128xf32, #tpu.memory_space<hbm>>
        tpu.enqueue_indirect_dma source(%dma_start3A_166 : memref<1000000x128xf32, #tpu.memory_space<hbm>>) target(%dma_start3A_160 : memref<72x128xf32, #tpu.memory_space<vmem>>) offsets(%dma_start3A_163 : memref<72xi32, #tpu.memory_space<vmem>>) semaphore(%arg7 : memref<!tpu.dma_semaphore, #tpu.memory_space<semaphore_mem>>)
        %mul3A_167 = arith.constant 2 : i32
        %mul3A_168 = arith.muli %add3A_137, %mul3A_167 : i32
        %add3A_169 = arith.constant 1 : i32
        %add3A_170 = arith.addi %mul3A_168, %add3A_169 : i32
        %dma_start3A_171 = arith.constant 200 : i32
        %dma_start3A_172 = arith.constant 0 : i32
        %dma_start3A_173 = tpu.memref_slice %arg6[%sub3A_138, %dma_start3A_171, %dma_start3A_172] : memref<2x400x128xf32, #tpu.memory_space<vmem>> -> memref<1x128x128xf32, #tpu.memory_space<vmem>>
        %dma_start3A_174 = tpu.memref_squeeze %dma_start3A_173 : memref<1x128x128xf32, #tpu.memory_space<vmem>> -> memref<128x128xf32, #tpu.memory_space<vmem>>
        %dma_start3A_175 = arith.constant 0 : i32
        %dma_start3A_176 = tpu.memref_slice %arg5[%add3A_170, %dma_start3A_175] : memref<32x200xi32, #tpu.memory_space<vmem>> -> memref<1x128xi32, #tpu.memory_space<vmem>>
        %dma_start3A_177 = tpu.memref_squeeze %dma_start3A_176 : memref<1x128xi32, #tpu.memory_space<vmem>> -> memref<128xi32, #tpu.memory_space<vmem>>
        %dma_start3A_178 = arith.constant 0 : i32
        %dma_start3A_179 = arith.constant 0 : i32
        %dma_start3A_180 = tpu.memref_slice %arg3[%dma_start3A_178, %dma_start3A_179] : memref<1000000x128xf32, #tpu.memory_space<hbm>> -> memref<1000000x128xf32, #tpu.memory_space<hbm>>
        tpu.enqueue_indirect_dma source(%dma_start3A_180 : memref<1000000x128xf32, #tpu.memory_space<hbm>>) target(%dma_start3A_174 : memref<128x128xf32, #tpu.memory_space<vmem>>) offsets(%dma_start3A_177 : memref<128xi32, #tpu.memory_space<vmem>>) semaphore(%arg7 : memref<!tpu.dma_semaphore, #tpu.memory_space<semaphore_mem>>)
        %mul3A_181 = arith.constant 2 : i32
        %mul3A_182 = arith.muli %add3A_137, %mul3A_181 : i32
        %add3A_183 = arith.constant 1 : i32
        %add3A_184 = arith.addi %mul3A_182, %add3A_183 : i32
        %dma_start3A_185 = arith.constant 328 : i32
        %dma_start3A_186 = arith.constant 0 : i32
        %dma_start3A_187 = tpu.memref_slice %arg6[%sub3A_138, %dma_start3A_185, %dma_start3A_186] : memref<2x400x128xf32, #tpu.memory_space<vmem>> -> memref<1x72x128xf32, #tpu.memory_space<vmem>>
        %dma_start3A_188 = tpu.memref_squeeze %dma_start3A_187 : memref<1x72x128xf32, #tpu.memory_space<vmem>> -> memref<72x128xf32, #tpu.memory_space<vmem>>
        %dma_start3A_189 = arith.constant 128 : i32
        %dma_start3A_190 = tpu.memref_slice %arg5[%add3A_184, %dma_start3A_189] : memref<32x200xi32, #tpu.memory_space<vmem>> -> memref<1x72xi32, #tpu.memory_space<vmem>>
        %dma_start3A_191 = tpu.memref_squeeze %dma_start3A_190 : memref<1x72xi32, #tpu.memory_space<vmem>> -> memref<72xi32, #tpu.memory_space<vmem>>
        %dma_start3A_192 = arith.constant 0 : i32
        %dma_start3A_193 = arith.constant 0 : i32
        %dma_start3A_194 = tpu.memref_slice %arg3[%dma_start3A_192, %dma_start3A_193] : memref<1000000x128xf32, #tpu.memory_space<hbm>> -> memref<1000000x128xf32, #tpu.memory_space<hbm>>
        tpu.enqueue_indirect_dma source(%dma_start3A_194 : memref<1000000x128xf32, #tpu.memory_space<hbm>>) target(%dma_start3A_188 : memref<72x128xf32, #tpu.memory_space<vmem>>) offsets(%dma_start3A_191 : memref<72xi32, #tpu.memory_space<vmem>>) semaphore(%arg7 : memref<!tpu.dma_semaphore, #tpu.memory_space<semaphore_mem>>)
      } else {
      }
      %mul3A_115 = arith.constant 2 : i32
      %mul3A_116 = arith.muli %scan3A_86, %mul3A_115 : i32
      %add3A_117 = arith.addi %mul3A_2, %mul3A_116 : i32
      %mul3A_118 = arith.constant 200 : i32
      %mul3A_119 = arith.muli %add3A_117, %mul3A_118 : i32
      %dma_start3A_120 = arith.constant 0 : i32
      %dma_start3A_121 = arith.constant 0 : i32
      %dma_start3A_122 = tpu.memref_slice %arg6[%select_n3A_95, %dma_start3A_120, %dma_start3A_121] : memref<2x400x128xf32, #tpu.memory_space<vmem>> -> memref<1x400x128xf32, #tpu.memory_space<vmem>>
      %dma_start3A_123 = tpu.memref_squeeze %dma_start3A_122 : memref<1x400x128xf32, #tpu.memory_space<vmem>> -> memref<400x128xf32, #tpu.memory_space<vmem>>
      %dma_start3A_124 = arith.constant 0 : i32
      %dma_start3A_125 = tpu.memref_slice %arg4[%mul3A_119, %dma_start3A_124] : memref<204800x128xf32, #tpu.memory_space<hbm>> -> memref<400x128xf32, #tpu.memory_space<hbm>>
      %dma_start3A_126 = arith.constant 0 : i32
      %dma_start3A_127 = tpu.memref_slice %arg4[%mul3A_119, %dma_start3A_126] : memref<204800x128xf32, #tpu.memory_space<hbm>> -> memref<400x128xf32, #tpu.memory_space<hbm>>
      %dma_start3A_128 = arith.constant 0 : i32
      %dma_start3A_129 = arith.constant 0 : i32
      %dma_start3A_130 = tpu.memref_slice %arg6[%select_n3A_95, %dma_start3A_128, %dma_start3A_129] : memref<2x400x128xf32, #tpu.memory_space<vmem>> -> memref<1x400x128xf32, #tpu.memory_space<vmem>>
      %dma_start3A_131 = tpu.memref_squeeze %dma_start3A_130 : memref<1x400x128xf32, #tpu.memory_space<vmem>> -> memref<400x128xf32, #tpu.memory_space<vmem>>
      tpu.enqueue_dma source(%dma_start3A_131 : memref<400x128xf32, #tpu.memory_space<vmem>>) target(%dma_start3A_127 : memref<400x128xf32, #tpu.memory_space<hbm>>) target_semaphore(%arg8 : memref<!tpu.dma_semaphore, #tpu.memory_space<semaphore_mem>>)
    }
    %scan3A_56 = arith.constant 16 : i32
    %dma_wait3A = arith.constant 0 : i32
    %dma_wait3A_57 = arith.constant 0 : i32
    %dma_wait3A_58 = arith.constant 0 : i32
    %dma_wait3A_59 = tpu.memref_slice %arg6[%dma_wait3A, %dma_wait3A_57, %dma_wait3A_58] : memref<2x400x128xf32, #tpu.memory_space<vmem>> -> memref<1x400x128xf32, #tpu.memory_space<vmem>>
    %dma_wait3A_60 = tpu.memref_squeeze %dma_wait3A_59 : memref<1x400x128xf32, #tpu.memory_space<vmem>> -> memref<400x128xf32, #tpu.memory_space<vmem>>
    %dma_wait3A_61 = arith.constant 0 : i32
    %dma_wait3A_62 = arith.constant 0 : i32
    %dma_wait3A_63 = tpu.memref_slice %arg4[%dma_wait3A_61, %dma_wait3A_62] : memref<204800x128xf32, #tpu.memory_space<hbm>> -> memref<400x128xf32, #tpu.memory_space<hbm>>
    %dma_wait3A_64 = arith.constant 0 : i32
    %dma_wait3A_65 = arith.constant 0 : i32
    %dma_wait3A_66 = tpu.memref_slice %arg6[%dma_wait3A, %dma_wait3A_64, %dma_wait3A_65] : memref<2x400x128xf32, #tpu.memory_space<vmem>> -> memref<1x400x128xf32, #tpu.memory_space<vmem>>
    %dma_wait3A_67 = tpu.memref_squeeze %dma_wait3A_66 : memref<1x400x128xf32, #tpu.memory_space<vmem>> -> memref<400x128xf32, #tpu.memory_space<vmem>>
    %dma_wait3A_68 = arith.constant 0 : i32
    %dma_wait3A_69 = arith.constant 0 : i32
    %dma_wait3A_70 = tpu.memref_slice %arg4[%dma_wait3A_68, %dma_wait3A_69] : memref<204800x128xf32, #tpu.memory_space<hbm>> -> memref<400x128xf32, #tpu.memory_space<hbm>>
    tpu.wait_dma2 semaphore(%arg8 : memref<!tpu.dma_semaphore, #tpu.memory_space<semaphore_mem>>) src(%dma_wait3A_70 : memref<400x128xf32, #tpu.memory_space<hbm>>) dst(%dma_wait3A_67 : memref<400x128xf32, #tpu.memory_space<vmem>>)
    %dma_wait3A_71 = arith.constant 1 : i32
    %dma_wait3A_72 = arith.constant 0 : i32
    %dma_wait3A_73 = arith.constant 0 : i32
    %dma_wait3A_74 = tpu.memref_slice %arg6[%dma_wait3A_71, %dma_wait3A_72, %dma_wait3A_73] : memref<2x400x128xf32, #tpu.memory_space<vmem>> -> memref<1x400x128xf32, #tpu.memory_space<vmem>>
    %dma_wait3A_75 = tpu.memref_squeeze %dma_wait3A_74 : memref<1x400x128xf32, #tpu.memory_space<vmem>> -> memref<400x128xf32, #tpu.memory_space<vmem>>
    %dma_wait3A_76 = arith.constant 0 : i32
    %dma_wait3A_77 = arith.constant 0 : i32
    %dma_wait3A_78 = tpu.memref_slice %arg4[%dma_wait3A_76, %dma_wait3A_77] : memref<204800x128xf32, #tpu.memory_space<hbm>> -> memref<400x128xf32, #tpu.memory_space<hbm>>
    %dma_wait3A_79 = arith.constant 0 : i32
    %dma_wait3A_80 = arith.constant 0 : i32
    %dma_wait3A_81 = tpu.memref_slice %arg6[%dma_wait3A_71, %dma_wait3A_79, %dma_wait3A_80] : memref<2x400x128xf32, #tpu.memory_space<vmem>> -> memref<1x400x128xf32, #tpu.memory_space<vmem>>
    %dma_wait3A_82 = tpu.memref_squeeze %dma_wait3A_81 : memref<1x400x128xf32, #tpu.memory_space<vmem>> -> memref<400x128xf32, #tpu.memory_space<vmem>>
    %dma_wait3A_83 = arith.constant 0 : i32
    %dma_wait3A_84 = arith.constant 0 : i32
    %dma_wait3A_85 = tpu.memref_slice %arg4[%dma_wait3A_83, %dma_wait3A_84] : memref<204800x128xf32, #tpu.memory_space<hbm>> -> memref<400x128xf32, #tpu.memory_space<hbm>>
    tpu.wait_dma2 semaphore(%arg8 : memref<!tpu.dma_semaphore, #tpu.memory_space<semaphore_mem>>) src(%dma_wait3A_85 : memref<400x128xf32, #tpu.memory_space<hbm>>) dst(%dma_wait3A_82 : memref<400x128xf32, #tpu.memory_space<vmem>>)
    return
  }
}

#map = affine_map<(d0, d1) -> (0, 0)>
module attributes {stable_mosaic.version = 14 : i64} {
  func.func @k(%arg0: i32, %arg1: i32, %arg2: memref<4096x200xi32, #tpu.memory_space<hbm>>, %arg3: memref<1000000x128xf32, #tpu.memory_space<hbm>>, %arg4: memref<204800x128xf32, #tpu.memory_space<hbm>>, %arg5: memref<32x200xi32, #tpu.memory_space<vmem>>, %arg6: memref<2x400x128xf32, #tpu.memory_space<vmem>>, %arg7: memref<!tpu.dma_semaphore, #tpu.memory_space<semaphore_mem>>, %arg8: memref<!tpu.dma_semaphore, #tpu.memory_space<semaphore_mem>>) attributes {dimension_semantics = [#tpu.dimension_semantics<core_parallel>, #tpu.dimension_semantics<subcore_parallel>], iteration_bounds = array<i64: 2, 16>, scalar_prefetch = 0 : i64, scratch_operands = 4 : i64, tpu.core_type = #tpu.core_type<sc_vector_subcore>, window_params = [{transform_indices = #map}, {transform_indices = #map}, {transform_indices = #map}]} {
    %mul3A = arith.constant 2 : i32
    %mul3A_0 = arith.muli %arg1, %mul3A : i32
    %add3A = arith.addi %mul3A_0, %arg0 : i32
    %mul3A_1 = arith.constant 32 : i32
    %mul3A_2 = arith.muli %add3A, %mul3A_1 : i32
    %add3A_3 = arith.constant 3072 : i32
    %add3A_4 = arith.addi %add3A_3, %mul3A_2 : i32
    "tpu.region"() ({
      %run_scoped3A = tpu.sem_alloc : memref<!tpu.dma_semaphore, #tpu.memory_space<semaphore_mem>>
      %dma_start3A_86 = arith.constant 0 : i32
      %dma_start3A_87 = tpu.memref_slice %arg2[%add3A_4, %dma_start3A_86] : memref<4096x200xi32, #tpu.memory_space<hbm>> -> memref<32x200xi32, #tpu.memory_space<hbm>>
      %dma_start3A_88 = arith.constant 0 : i32
      %dma_start3A_89 = tpu.memref_slice %arg2[%add3A_4, %dma_start3A_88] : memref<4096x200xi32, #tpu.memory_space<hbm>> -> memref<32x200xi32, #tpu.memory_space<hbm>>
      tpu.enqueue_dma source(%dma_start3A_89 : memref<32x200xi32, #tpu.memory_space<hbm>>) target(%arg5 : memref<32x200xi32, #tpu.memory_space<vmem>>) target_semaphore(%run_scoped3A : memref<!tpu.dma_semaphore, #tpu.memory_space<semaphore_mem>>)
      %dma_wait3A_90 = arith.constant 0 : i32
      %dma_wait3A_91 = tpu.memref_slice %arg2[%add3A_4, %dma_wait3A_90] : memref<4096x200xi32, #tpu.memory_space<hbm>> -> memref<32x200xi32, #tpu.memory_space<hbm>>
      %dma_wait3A_92 = arith.constant 0 : i32
      %dma_wait3A_93 = tpu.memref_slice %arg2[%add3A_4, %dma_wait3A_92] : memref<4096x200xi32, #tpu.memory_space<hbm>> -> memref<32x200xi32, #tpu.memory_space<hbm>>
      tpu.wait_dma2 semaphore(%run_scoped3A : memref<!tpu.dma_semaphore, #tpu.memory_space<semaphore_mem>>) src(%dma_wait3A_93 : memref<32x200xi32, #tpu.memory_space<hbm>>) dst(%arg5 : memref<32x200xi32, #tpu.memory_space<vmem>>)
      tpu.yield
    }) : () -> ()
    %dma_start3A = arith.constant 0 : i32
    %dma_start3A_5 = arith.constant 0 : i32
    %dma_start3A_6 = arith.constant 0 : i32
    %dma_start3A_7 = arith.constant 0 : i32
    %dma_start3A_8 = tpu.memref_slice %arg6[%dma_start3A_5, %dma_start3A_6, %dma_start3A_7] : memref<2x400x128xf32, #tpu.memory_space<vmem>> -> memref<1x128x128xf32, #tpu.memory_space<vmem>>
    %dma_start3A_9 = tpu.memref_squeeze %dma_start3A_8 : memref<1x128x128xf32, #tpu.memory_space<vmem>> -> memref<128x128xf32, #tpu.memory_space<vmem>>
    %dma_start3A_10 = arith.constant 0 : i32
    %dma_start3A_11 = tpu.memref_slice %arg5[%dma_start3A, %dma_start3A_10] : memref<32x200xi32, #tpu.memory_space<vmem>> -> memref<1x128xi32, #tpu.memory_space<vmem>>
    %dma_start3A_12 = tpu.memref_squeeze %dma_start3A_11 : memref<1x128xi32, #tpu.memory_space<vmem>> -> memref<128xi32, #tpu.memory_space<vmem>>
    %dma_start3A_13 = arith.constant 0 : i32
    %dma_start3A_14 = arith.constant 0 : i32
    %dma_start3A_15 = tpu.memref_slice %arg3[%dma_start3A_13, %dma_start3A_14] : memref<1000000x128xf32, #tpu.memory_space<hbm>> -> memref<1000000x128xf32, #tpu.memory_space<hbm>>
    tpu.enqueue_indirect_dma source(%dma_start3A_15 : memref<1000000x128xf32, #tpu.memory_space<hbm>>) target(%dma_start3A_9 : memref<128x128xf32, #tpu.memory_space<vmem>>) offsets(%dma_start3A_12 : memref<128xi32, #tpu.memory_space<vmem>>) semaphore(%arg7 : memref<!tpu.dma_semaphore, #tpu.memory_space<semaphore_mem>>)
    %dma_start3A_16 = arith.constant 0 : i32
    %dma_start3A_17 = arith.constant 0 : i32
    %dma_start3A_18 = arith.constant 128 : i32
    %dma_start3A_19 = arith.constant 0 : i32
    %dma_start3A_20 = tpu.memref_slice %arg6[%dma_start3A_17, %dma_start3A_18, %dma_start3A_19] : memref<2x400x128xf32, #tpu.memory_space<vmem>> -> memref<1x72x128xf32, #tpu.memory_space<vmem>>
    %dma_start3A_21 = tpu.memref_squeeze %dma_start3A_20 : memref<1x72x128xf32, #tpu.memory_space<vmem>> -> memref<72x128xf32, #tpu.memory_space<vmem>>
    %dma_start3A_22 = arith.constant 128 : i32
    %dma_start3A_23 = tpu.memref_slice %arg5[%dma_start3A_16, %dma_start3A_22] : memref<32x200xi32, #tpu.memory_space<vmem>> -> memref<1x72xi32, #tpu.memory_space<vmem>>
    %dma_start3A_24 = tpu.memref_squeeze %dma_start3A_23 : memref<1x72xi32, #tpu.memory_space<vmem>> -> memref<72xi32, #tpu.memory_space<vmem>>
    %dma_start3A_25 = arith.constant 0 : i32
    %dma_start3A_26 = arith.constant 0 : i32
    %dma_start3A_27 = tpu.memref_slice %arg3[%dma_start3A_25, %dma_start3A_26] : memref<1000000x128xf32, #tpu.memory_space<hbm>> -> memref<1000000x128xf32, #tpu.memory_space<hbm>>
    tpu.enqueue_indirect_dma source(%dma_start3A_27 : memref<1000000x128xf32, #tpu.memory_space<hbm>>) target(%dma_start3A_21 : memref<72x128xf32, #tpu.memory_space<vmem>>) offsets(%dma_start3A_24 : memref<72xi32, #tpu.memory_space<vmem>>) semaphore(%arg7 : memref<!tpu.dma_semaphore, #tpu.memory_space<semaphore_mem>>)
    %dma_start3A_28 = arith.constant 1 : i32
    %dma_start3A_29 = arith.constant 0 : i32
    %dma_start3A_30 = arith.constant 200 : i32
    %dma_start3A_31 = arith.constant 0 : i32
    %dma_start3A_32 = tpu.memref_slice %arg6[%dma_start3A_29, %dma_start3A_30, %dma_start3A_31] : memref<2x400x128xf32, #tpu.memory_space<vmem>> -> memref<1x128x128xf32, #tpu.memory_space<vmem>>
    %dma_start3A_33 = tpu.memref_squeeze %dma_start3A_32 : memref<1x128x128xf32, #tpu.memory_space<vmem>> -> memref<128x128xf32, #tpu.memory_space<vmem>>
    %dma_start3A_34 = arith.constant 0 : i32
    %dma_start3A_35 = tpu.memref_slice %arg5[%dma_start3A_28, %dma_start3A_34] : memref<32x200xi32, #tpu.memory_space<vmem>> -> memref<1x128xi32, #tpu.memory_space<vmem>>
    %dma_start3A_36 = tpu.memref_squeeze %dma_start3A_35 : memref<1x128xi32, #tpu.memory_space<vmem>> -> memref<128xi32, #tpu.memory_space<vmem>>
    %dma_start3A_37 = arith.constant 0 : i32
    %dma_start3A_38 = arith.constant 0 : i32
    %dma_start3A_39 = tpu.memref_slice %arg3[%dma_start3A_37, %dma_start3A_38] : memref<1000000x128xf32, #tpu.memory_space<hbm>> -> memref<1000000x128xf32, #tpu.memory_space<hbm>>
    tpu.enqueue_indirect_dma source(%dma_start3A_39 : memref<1000000x128xf32, #tpu.memory_space<hbm>>) target(%dma_start3A_33 : memref<128x128xf32, #tpu.memory_space<vmem>>) offsets(%dma_start3A_36 : memref<128xi32, #tpu.memory_space<vmem>>) semaphore(%arg7 : memref<!tpu.dma_semaphore, #tpu.memory_space<semaphore_mem>>)
    %dma_start3A_40 = arith.constant 1 : i32
    %dma_start3A_41 = arith.constant 0 : i32
    %dma_start3A_42 = arith.constant 328 : i32
    %dma_start3A_43 = arith.constant 0 : i32
    %dma_start3A_44 = tpu.memref_slice %arg6[%dma_start3A_41, %dma_start3A_42, %dma_start3A_43] : memref<2x400x128xf32, #tpu.memory_space<vmem>> -> memref<1x72x128xf32, #tpu.memory_space<vmem>>
    %dma_start3A_45 = tpu.memref_squeeze %dma_start3A_44 : memref<1x72x128xf32, #tpu.memory_space<vmem>> -> memref<72x128xf32, #tpu.memory_space<vmem>>
    %dma_start3A_46 = arith.constant 128 : i32
    %dma_start3A_47 = tpu.memref_slice %arg5[%dma_start3A_40, %dma_start3A_46] : memref<32x200xi32, #tpu.memory_space<vmem>> -> memref<1x72xi32, #tpu.memory_space<vmem>>
    %dma_start3A_48 = tpu.memref_squeeze %dma_start3A_47 : memref<1x72xi32, #tpu.memory_space<vmem>> -> memref<72xi32, #tpu.memory_space<vmem>>
    %dma_start3A_49 = arith.constant 0 : i32
    %dma_start3A_50 = arith.constant 0 : i32
    %dma_start3A_51 = tpu.memref_slice %arg3[%dma_start3A_49, %dma_start3A_50] : memref<1000000x128xf32, #tpu.memory_space<hbm>> -> memref<1000000x128xf32, #tpu.memory_space<hbm>>
    tpu.enqueue_indirect_dma source(%dma_start3A_51 : memref<1000000x128xf32, #tpu.memory_space<hbm>>) target(%dma_start3A_45 : memref<72x128xf32, #tpu.memory_space<vmem>>) offsets(%dma_start3A_48 : memref<72xi32, #tpu.memory_space<vmem>>) semaphore(%arg7 : memref<!tpu.dma_semaphore, #tpu.memory_space<semaphore_mem>>)
    %scan3A = arith.constant 0 : i32
    %scan3A_52 = arith.constant 0 : i32
    %scan3A_53 = arith.constant 16 : i32
    %scan3A_54 = arith.addi %scan3A_52, %scan3A_53 : i32
    %scan3A_55 = arith.constant 1 : i32
    scf.for %scan3A_86 = %scan3A_52 to %scan3A_54 step %scan3A_55  : i32 {
      %jit3A = arith.constant 2 : i32
      %eq3A = arith.constant 0 : i32
      %eq3A_87 = arith.cmpi eq, %jit3A, %eq3A : i32
      %jit3A_88 = arith.constant 1 : i32
      %select_n3A = arith.select %eq3A_87, %jit3A_88, %jit3A : i32
      %rem3A = arith.remsi %scan3A_86, %select_n3A : i32
      %ne3A = arith.constant 0 : i32
      %ne3A_89 = arith.cmpi ne, %rem3A, %ne3A : i32
      %lt3A = arith.constant 0 : i32
      %lt3A_90 = arith.cmpi slt, %rem3A, %lt3A : i32
      %lt3A_91 = arith.constant 0 : i32
      %lt3A_92 = arith.cmpi slt, %select_n3A, %lt3A_91 : i32
      %ne3A_93 = arith.xori %lt3A_90, %lt3A_92 : i1
      %and3A = arith.andi %ne3A_93, %ne3A_89 : i1
      %add3A_94 = arith.addi %rem3A, %select_n3A : i32
      %select_n3A_95 = arith.select %and3A, %add3A_94, %rem3A : i32
      %dma_wait3A_96 = arith.constant 0 : i32
      %dma_wait3A_97 = arith.constant 0 : i32
      %dma_wait3A_98 = tpu.memref_slice %arg6[%select_n3A_95, %dma_wait3A_96, %dma_wait3A_97] : memref<2x400x128xf32, #tpu.memory_space<vmem>> -> memref<1x400x128xf32, #tpu.memory_space<vmem>>
      %dma_wait3A_99 = tpu.memref_squeeze %dma_wait3A_98 : memref<1x400x128xf32, #tpu.memory_space<vmem>> -> memref<400x128xf32, #tpu.memory_space<vmem>>
      %dma_wait3A_100 = arith.constant 0 : i32
      %dma_wait3A_101 = arith.constant 0 : i32
      %dma_wait3A_102 = tpu.memref_slice %arg4[%dma_wait3A_100, %dma_wait3A_101] : memref<204800x128xf32, #tpu.memory_space<hbm>> -> memref<400x128xf32, #tpu.memory_space<hbm>>
      %dma_wait3A_103 = arith.constant 0 : i32
      %dma_wait3A_104 = arith.constant 0 : i32
      %dma_wait3A_105 = tpu.memref_slice %arg6[%select_n3A_95, %dma_wait3A_103, %dma_wait3A_104] : memref<2x400x128xf32, #tpu.memory_space<vmem>> -> memref<1x400x128xf32, #tpu.memory_space<vmem>>
      %dma_wait3A_106 = tpu.memref_squeeze %dma_wait3A_105 : memref<1x400x128xf32, #tpu.memory_space<vmem>> -> memref<400x128xf32, #tpu.memory_space<vmem>>
      %dma_wait3A_107 = arith.constant 0 : i32
      %dma_wait3A_108 = arith.constant 0 : i32
      %dma_wait3A_109 = tpu.memref_slice %arg4[%dma_wait3A_107, %dma_wait3A_108] : memref<204800x128xf32, #tpu.memory_space<hbm>> -> memref<400x128xf32, #tpu.memory_space<hbm>>
      tpu.wait_dma2 semaphore(%arg7 : memref<!tpu.dma_semaphore, #tpu.memory_space<semaphore_mem>>) src(%dma_wait3A_109 : memref<400x128xf32, #tpu.memory_space<hbm>>) dst(%dma_wait3A_106 : memref<400x128xf32, #tpu.memory_space<vmem>>)
      %add3A_110 = arith.constant 1 : i32
      %add3A_111 = arith.addi %scan3A_86, %add3A_110 : i32
      %lt3A_112 = arith.constant 16 : i32
      %lt3A_113 = arith.cmpi slt, %add3A_111, %lt3A_112 : i32
      %convert_element_type3A = arith.extui %lt3A_113 : i1 to i32
      %cond3A = arith.constant 0 : i32
      %cond3A_114 = arith.cmpi ne, %convert_element_type3A, %cond3A : i32
      scf.if %cond3A_114 {
        %ge3A = arith.constant 1 : i32
        %ge3A_132 = arith.cmpi sge, %scan3A_86, %ge3A : i32
        %convert_element_type3A_133 = arith.extui %ge3A_132 : i1 to i32
        %cond3A_134 = arith.constant 0 : i32
        %cond3A_135 = arith.cmpi ne, %convert_element_type3A_133, %cond3A_134 : i32
        scf.if %cond3A_135 {
          %sub3A_195 = arith.constant 1 : i32
          %sub3A_196 = arith.subi %sub3A_195, %select_n3A_95 : i32
          %dma_wait3A_197 = arith.constant 0 : i32
          %dma_wait3A_198 = arith.constant 0 : i32
          %dma_wait3A_199 = tpu.memref_slice %arg6[%sub3A_196, %dma_wait3A_197, %dma_wait3A_198] : memref<2x400x128xf32, #tpu.memory_space<vmem>> -> memref<1x400x128xf32, #tpu.memory_space<vmem>>
          %dma_wait3A_200 = tpu.memref_squeeze %dma_wait3A_199 : memref<1x400x128xf32, #tpu.memory_space<vmem>> -> memref<400x128xf32, #tpu.memory_space<vmem>>
          %dma_wait3A_201 = arith.constant 0 : i32
          %dma_wait3A_202 = arith.constant 0 : i32
          %dma_wait3A_203 = tpu.memref_slice %arg4[%dma_wait3A_201, %dma_wait3A_202] : memref<204800x128xf32, #tpu.memory_space<hbm>> -> memref<400x128xf32, #tpu.memory_space<hbm>>
          %dma_wait3A_204 = arith.constant 0 : i32
          %dma_wait3A_205 = arith.constant 0 : i32
          %dma_wait3A_206 = tpu.memref_slice %arg6[%sub3A_196, %dma_wait3A_204, %dma_wait3A_205] : memref<2x400x128xf32, #tpu.memory_space<vmem>> -> memref<1x400x128xf32, #tpu.memory_space<vmem>>
          %dma_wait3A_207 = tpu.memref_squeeze %dma_wait3A_206 : memref<1x400x128xf32, #tpu.memory_space<vmem>> -> memref<400x128xf32, #tpu.memory_space<vmem>>
          %dma_wait3A_208 = arith.constant 0 : i32
          %dma_wait3A_209 = arith.constant 0 : i32
          %dma_wait3A_210 = tpu.memref_slice %arg4[%dma_wait3A_208, %dma_wait3A_209] : memref<204800x128xf32, #tpu.memory_space<hbm>> -> memref<400x128xf32, #tpu.memory_space<hbm>>
          tpu.wait_dma2 semaphore(%arg8 : memref<!tpu.dma_semaphore, #tpu.memory_space<semaphore_mem>>) src(%dma_wait3A_210 : memref<400x128xf32, #tpu.memory_space<hbm>>) dst(%dma_wait3A_207 : memref<400x128xf32, #tpu.memory_space<vmem>>)
        } else {
        }
        %add3A_136 = arith.constant 1 : i32
        %add3A_137 = arith.addi %scan3A_86, %add3A_136 : i32
        %sub3A = arith.constant 1 : i32
        %sub3A_138 = arith.subi %sub3A, %select_n3A_95 : i32
        %mul3A_139 = arith.constant 2 : i32
        %mul3A_140 = arith.muli %add3A_137, %mul3A_139 : i32
        %add3A_141 = arith.constant 0 : i32
        %add3A_142 = arith.addi %mul3A_140, %add3A_141 : i32
        %dma_start3A_143 = arith.constant 0 : i32
        %dma_start3A_144 = arith.constant 0 : i32
        %dma_start3A_145 = tpu.memref_slice %arg6[%sub3A_138, %dma_start3A_143, %dma_start3A_144] : memref<2x400x128xf32, #tpu.memory_space<vmem>> -> memref<1x128x128xf32, #tpu.memory_space<vmem>>
        %dma_start3A_146 = tpu.memref_squeeze %dma_start3A_145 : memref<1x128x128xf32, #tpu.memory_space<vmem>> -> memref<128x128xf32, #tpu.memory_space<vmem>>
        %dma_start3A_147 = arith.constant 0 : i32
        %dma_start3A_148 = tpu.memref_slice %arg5[%add3A_142, %dma_start3A_147] : memref<32x200xi32, #tpu.memory_space<vmem>> -> memref<1x128xi32, #tpu.memory_space<vmem>>
        %dma_start3A_149 = tpu.memref_squeeze %dma_start3A_148 : memref<1x128xi32, #tpu.memory_space<vmem>> -> memref<128xi32, #tpu.memory_space<vmem>>
        %dma_start3A_150 = arith.constant 0 : i32
        %dma_start3A_151 = arith.constant 0 : i32
        %dma_start3A_152 = tpu.memref_slice %arg3[%dma_start3A_150, %dma_start3A_151] : memref<1000000x128xf32, #tpu.memory_space<hbm>> -> memref<1000000x128xf32, #tpu.memory_space<hbm>>
        tpu.enqueue_indirect_dma source(%dma_start3A_152 : memref<1000000x128xf32, #tpu.memory_space<hbm>>) target(%dma_start3A_146 : memref<128x128xf32, #tpu.memory_space<vmem>>) offsets(%dma_start3A_149 : memref<128xi32, #tpu.memory_space<vmem>>) semaphore(%arg7 : memref<!tpu.dma_semaphore, #tpu.memory_space<semaphore_mem>>)
        %mul3A_153 = arith.constant 2 : i32
        %mul3A_154 = arith.muli %add3A_137, %mul3A_153 : i32
        %add3A_155 = arith.constant 0 : i32
        %add3A_156 = arith.addi %mul3A_154, %add3A_155 : i32
        %dma_start3A_157 = arith.constant 128 : i32
        %dma_start3A_158 = arith.constant 0 : i32
        %dma_start3A_159 = tpu.memref_slice %arg6[%sub3A_138, %dma_start3A_157, %dma_start3A_158] : memref<2x400x128xf32, #tpu.memory_space<vmem>> -> memref<1x72x128xf32, #tpu.memory_space<vmem>>
        %dma_start3A_160 = tpu.memref_squeeze %dma_start3A_159 : memref<1x72x128xf32, #tpu.memory_space<vmem>> -> memref<72x128xf32, #tpu.memory_space<vmem>>
        %dma_start3A_161 = arith.constant 128 : i32
        %dma_start3A_162 = tpu.memref_slice %arg5[%add3A_156, %dma_start3A_161] : memref<32x200xi32, #tpu.memory_space<vmem>> -> memref<1x72xi32, #tpu.memory_space<vmem>>
        %dma_start3A_163 = tpu.memref_squeeze %dma_start3A_162 : memref<1x72xi32, #tpu.memory_space<vmem>> -> memref<72xi32, #tpu.memory_space<vmem>>
        %dma_start3A_164 = arith.constant 0 : i32
        %dma_start3A_165 = arith.constant 0 : i32
        %dma_start3A_166 = tpu.memref_slice %arg3[%dma_start3A_164, %dma_start3A_165] : memref<1000000x128xf32, #tpu.memory_space<hbm>> -> memref<1000000x128xf32, #tpu.memory_space<hbm>>
        tpu.enqueue_indirect_dma source(%dma_start3A_166 : memref<1000000x128xf32, #tpu.memory_space<hbm>>) target(%dma_start3A_160 : memref<72x128xf32, #tpu.memory_space<vmem>>) offsets(%dma_start3A_163 : memref<72xi32, #tpu.memory_space<vmem>>) semaphore(%arg7 : memref<!tpu.dma_semaphore, #tpu.memory_space<semaphore_mem>>)
        %mul3A_167 = arith.constant 2 : i32
        %mul3A_168 = arith.muli %add3A_137, %mul3A_167 : i32
        %add3A_169 = arith.constant 1 : i32
        %add3A_170 = arith.addi %mul3A_168, %add3A_169 : i32
        %dma_start3A_171 = arith.constant 200 : i32
        %dma_start3A_172 = arith.constant 0 : i32
        %dma_start3A_173 = tpu.memref_slice %arg6[%sub3A_138, %dma_start3A_171, %dma_start3A_172] : memref<2x400x128xf32, #tpu.memory_space<vmem>> -> memref<1x128x128xf32, #tpu.memory_space<vmem>>
        %dma_start3A_174 = tpu.memref_squeeze %dma_start3A_173 : memref<1x128x128xf32, #tpu.memory_space<vmem>> -> memref<128x128xf32, #tpu.memory_space<vmem>>
        %dma_start3A_175 = arith.constant 0 : i32
        %dma_start3A_176 = tpu.memref_slice %arg5[%add3A_170, %dma_start3A_175] : memref<32x200xi32, #tpu.memory_space<vmem>> -> memref<1x128xi32, #tpu.memory_space<vmem>>
        %dma_start3A_177 = tpu.memref_squeeze %dma_start3A_176 : memref<1x128xi32, #tpu.memory_space<vmem>> -> memref<128xi32, #tpu.memory_space<vmem>>
        %dma_start3A_178 = arith.constant 0 : i32
        %dma_start3A_179 = arith.constant 0 : i32
        %dma_start3A_180 = tpu.memref_slice %arg3[%dma_start3A_178, %dma_start3A_179] : memref<1000000x128xf32, #tpu.memory_space<hbm>> -> memref<1000000x128xf32, #tpu.memory_space<hbm>>
        tpu.enqueue_indirect_dma source(%dma_start3A_180 : memref<1000000x128xf32, #tpu.memory_space<hbm>>) target(%dma_start3A_174 : memref<128x128xf32, #tpu.memory_space<vmem>>) offsets(%dma_start3A_177 : memref<128xi32, #tpu.memory_space<vmem>>) semaphore(%arg7 : memref<!tpu.dma_semaphore, #tpu.memory_space<semaphore_mem>>)
        %mul3A_181 = arith.constant 2 : i32
        %mul3A_182 = arith.muli %add3A_137, %mul3A_181 : i32
        %add3A_183 = arith.constant 1 : i32
        %add3A_184 = arith.addi %mul3A_182, %add3A_183 : i32
        %dma_start3A_185 = arith.constant 328 : i32
        %dma_start3A_186 = arith.constant 0 : i32
        %dma_start3A_187 = tpu.memref_slice %arg6[%sub3A_138, %dma_start3A_185, %dma_start3A_186] : memref<2x400x128xf32, #tpu.memory_space<vmem>> -> memref<1x72x128xf32, #tpu.memory_space<vmem>>
        %dma_start3A_188 = tpu.memref_squeeze %dma_start3A_187 : memref<1x72x128xf32, #tpu.memory_space<vmem>> -> memref<72x128xf32, #tpu.memory_space<vmem>>
        %dma_start3A_189 = arith.constant 128 : i32
        %dma_start3A_190 = tpu.memref_slice %arg5[%add3A_184, %dma_start3A_189] : memref<32x200xi32, #tpu.memory_space<vmem>> -> memref<1x72xi32, #tpu.memory_space<vmem>>
        %dma_start3A_191 = tpu.memref_squeeze %dma_start3A_190 : memref<1x72xi32, #tpu.memory_space<vmem>> -> memref<72xi32, #tpu.memory_space<vmem>>
        %dma_start3A_192 = arith.constant 0 : i32
        %dma_start3A_193 = arith.constant 0 : i32
        %dma_start3A_194 = tpu.memref_slice %arg3[%dma_start3A_192, %dma_start3A_193] : memref<1000000x128xf32, #tpu.memory_space<hbm>> -> memref<1000000x128xf32, #tpu.memory_space<hbm>>
        tpu.enqueue_indirect_dma source(%dma_start3A_194 : memref<1000000x128xf32, #tpu.memory_space<hbm>>) target(%dma_start3A_188 : memref<72x128xf32, #tpu.memory_space<vmem>>) offsets(%dma_start3A_191 : memref<72xi32, #tpu.memory_space<vmem>>) semaphore(%arg7 : memref<!tpu.dma_semaphore, #tpu.memory_space<semaphore_mem>>)
      } else {
      }
      %mul3A_115 = arith.constant 2 : i32
      %mul3A_116 = arith.muli %scan3A_86, %mul3A_115 : i32
      %add3A_117 = arith.addi %mul3A_2, %mul3A_116 : i32
      %mul3A_118 = arith.constant 200 : i32
      %mul3A_119 = arith.muli %add3A_117, %mul3A_118 : i32
      %dma_start3A_120 = arith.constant 0 : i32
      %dma_start3A_121 = arith.constant 0 : i32
      %dma_start3A_122 = tpu.memref_slice %arg6[%select_n3A_95, %dma_start3A_120, %dma_start3A_121] : memref<2x400x128xf32, #tpu.memory_space<vmem>> -> memref<1x400x128xf32, #tpu.memory_space<vmem>>
      %dma_start3A_123 = tpu.memref_squeeze %dma_start3A_122 : memref<1x400x128xf32, #tpu.memory_space<vmem>> -> memref<400x128xf32, #tpu.memory_space<vmem>>
      %dma_start3A_124 = arith.constant 0 : i32
      %dma_start3A_125 = tpu.memref_slice %arg4[%mul3A_119, %dma_start3A_124] : memref<204800x128xf32, #tpu.memory_space<hbm>> -> memref<400x128xf32, #tpu.memory_space<hbm>>
      %dma_start3A_126 = arith.constant 0 : i32
      %dma_start3A_127 = tpu.memref_slice %arg4[%mul3A_119, %dma_start3A_126] : memref<204800x128xf32, #tpu.memory_space<hbm>> -> memref<400x128xf32, #tpu.memory_space<hbm>>
      %dma_start3A_128 = arith.constant 0 : i32
      %dma_start3A_129 = arith.constant 0 : i32
      %dma_start3A_130 = tpu.memref_slice %arg6[%select_n3A_95, %dma_start3A_128, %dma_start3A_129] : memref<2x400x128xf32, #tpu.memory_space<vmem>> -> memref<1x400x128xf32, #tpu.memory_space<vmem>>
      %dma_start3A_131 = tpu.memref_squeeze %dma_start3A_130 : memref<1x400x128xf32, #tpu.memory_space<vmem>> -> memref<400x128xf32, #tpu.memory_space<vmem>>
      tpu.enqueue_dma source(%dma_start3A_131 : memref<400x128xf32, #tpu.memory_space<vmem>>) target(%dma_start3A_127 : memref<400x128xf32, #tpu.memory_space<hbm>>) target_semaphore(%arg8 : memref<!tpu.dma_semaphore, #tpu.memory_space<semaphore_mem>>)
    }
    %scan3A_56 = arith.constant 16 : i32
    %dma_wait3A = arith.constant 0 : i32
    %dma_wait3A_57 = arith.constant 0 : i32
    %dma_wait3A_58 = arith.constant 0 : i32
    %dma_wait3A_59 = tpu.memref_slice %arg6[%dma_wait3A, %dma_wait3A_57, %dma_wait3A_58] : memref<2x400x128xf32, #tpu.memory_space<vmem>> -> memref<1x400x128xf32, #tpu.memory_space<vmem>>
    %dma_wait3A_60 = tpu.memref_squeeze %dma_wait3A_59 : memref<1x400x128xf32, #tpu.memory_space<vmem>> -> memref<400x128xf32, #tpu.memory_space<vmem>>
    %dma_wait3A_61 = arith.constant 0 : i32
    %dma_wait3A_62 = arith.constant 0 : i32
    %dma_wait3A_63 = tpu.memref_slice %arg4[%dma_wait3A_61, %dma_wait3A_62] : memref<204800x128xf32, #tpu.memory_space<hbm>> -> memref<400x128xf32, #tpu.memory_space<hbm>>
    %dma_wait3A_64 = arith.constant 0 : i32
    %dma_wait3A_65 = arith.constant 0 : i32
    %dma_wait3A_66 = tpu.memref_slice %arg6[%dma_wait3A, %dma_wait3A_64, %dma_wait3A_65] : memref<2x400x128xf32, #tpu.memory_space<vmem>> -> memref<1x400x128xf32, #tpu.memory_space<vmem>>
    %dma_wait3A_67 = tpu.memref_squeeze %dma_wait3A_66 : memref<1x400x128xf32, #tpu.memory_space<vmem>> -> memref<400x128xf32, #tpu.memory_space<vmem>>
    %dma_wait3A_68 = arith.constant 0 : i32
    %dma_wait3A_69 = arith.constant 0 : i32
    %dma_wait3A_70 = tpu.memref_slice %arg4[%dma_wait3A_68, %dma_wait3A_69] : memref<204800x128xf32, #tpu.memory_space<hbm>> -> memref<400x128xf32, #tpu.memory_space<hbm>>
    tpu.wait_dma2 semaphore(%arg8 : memref<!tpu.dma_semaphore, #tpu.memory_space<semaphore_mem>>) src(%dma_wait3A_70 : memref<400x128xf32, #tpu.memory_space<hbm>>) dst(%dma_wait3A_67 : memref<400x128xf32, #tpu.memory_space<vmem>>)
    %dma_wait3A_71 = arith.constant 1 : i32
    %dma_wait3A_72 = arith.constant 0 : i32
    %dma_wait3A_73 = arith.constant 0 : i32
    %dma_wait3A_74 = tpu.memref_slice %arg6[%dma_wait3A_71, %dma_wait3A_72, %dma_wait3A_73] : memref<2x400x128xf32, #tpu.memory_space<vmem>> -> memref<1x400x128xf32, #tpu.memory_space<vmem>>
    %dma_wait3A_75 = tpu.memref_squeeze %dma_wait3A_74 : memref<1x400x128xf32, #tpu.memory_space<vmem>> -> memref<400x128xf32, #tpu.memory_space<vmem>>
    %dma_wait3A_76 = arith.constant 0 : i32
    %dma_wait3A_77 = arith.constant 0 : i32
    %dma_wait3A_78 = tpu.memref_slice %arg4[%dma_wait3A_76, %dma_wait3A_77] : memref<204800x128xf32, #tpu.memory_space<hbm>> -> memref<400x128xf32, #tpu.memory_space<hbm>>
    %dma_wait3A_79 = arith.constant 0 : i32
    %dma_wait3A_80 = arith.constant 0 : i32
    %dma_wait3A_81 = tpu.memref_slice %arg6[%dma_wait3A_71, %dma_wait3A_79, %dma_wait3A_80] : memref<2x400x128xf32, #tpu.memory_space<vmem>> -> memref<1x400x128xf32, #tpu.memory_space<vmem>>
    %dma_wait3A_82 = tpu.memref_squeeze %dma_wait3A_81 : memref<1x400x128xf32, #tpu.memory_space<vmem>> -> memref<400x128xf32, #tpu.memory_space<vmem>>
    %dma_wait3A_83 = arith.constant 0 : i32
    %dma_wait3A_84 = arith.constant 0 : i32
    %dma_wait3A_85 = tpu.memref_slice %arg4[%dma_wait3A_83, %dma_wait3A_84] : memref<204800x128xf32, #tpu.memory_space<hbm>> -> memref<400x128xf32, #tpu.memory_space<hbm>>
    tpu.wait_dma2 semaphore(%arg8 : memref<!tpu.dma_semaphore, #tpu.memory_space<semaphore_mem>>) src(%dma_wait3A_85 : memref<400x128xf32, #tpu.memory_space<hbm>>) dst(%dma_wait3A_82 : memref<400x128xf32, #tpu.memory_space<vmem>>)
    return
  }
}

#map = affine_map<(d0, d1) -> (0, 0)>
module attributes {stable_mosaic.version = 14 : i64} {
  func.func @k(%arg0: i32, %arg1: i32, %arg2: memref<4096x200xi32, #tpu.memory_space<hbm>>, %arg3: memref<1000000x128xf32, #tpu.memory_space<hbm>>, %arg4: memref<204800x128xf32, #tpu.memory_space<hbm>>, %arg5: memref<32x200xi32, #tpu.memory_space<vmem>>, %arg6: memref<2x400x128xf32, #tpu.memory_space<vmem>>, %arg7: memref<!tpu.dma_semaphore, #tpu.memory_space<semaphore_mem>>, %arg8: memref<!tpu.dma_semaphore, #tpu.memory_space<semaphore_mem>>) attributes {dimension_semantics = [#tpu.dimension_semantics<core_parallel>, #tpu.dimension_semantics<subcore_parallel>], iteration_bounds = array<i64: 2, 16>, scalar_prefetch = 0 : i64, scratch_operands = 4 : i64, tpu.core_type = #tpu.core_type<sc_vector_subcore>, window_params = [{transform_indices = #map}, {transform_indices = #map}, {transform_indices = #map}]} {
    %mul3A = arith.constant 2 : i32
    %mul3A_0 = arith.muli %arg1, %mul3A : i32
    %add3A = arith.addi %mul3A_0, %arg0 : i32
    %mul3A_1 = arith.constant 32 : i32
    %mul3A_2 = arith.muli %add3A, %mul3A_1 : i32
    %add3A_3 = arith.constant 2048 : i32
    %add3A_4 = arith.addi %add3A_3, %mul3A_2 : i32
    "tpu.region"() ({
      %run_scoped3A = tpu.sem_alloc : memref<!tpu.dma_semaphore, #tpu.memory_space<semaphore_mem>>
      %dma_start3A_86 = arith.constant 0 : i32
      %dma_start3A_87 = tpu.memref_slice %arg2[%add3A_4, %dma_start3A_86] : memref<4096x200xi32, #tpu.memory_space<hbm>> -> memref<32x200xi32, #tpu.memory_space<hbm>>
      %dma_start3A_88 = arith.constant 0 : i32
      %dma_start3A_89 = tpu.memref_slice %arg2[%add3A_4, %dma_start3A_88] : memref<4096x200xi32, #tpu.memory_space<hbm>> -> memref<32x200xi32, #tpu.memory_space<hbm>>
      tpu.enqueue_dma source(%dma_start3A_89 : memref<32x200xi32, #tpu.memory_space<hbm>>) target(%arg5 : memref<32x200xi32, #tpu.memory_space<vmem>>) target_semaphore(%run_scoped3A : memref<!tpu.dma_semaphore, #tpu.memory_space<semaphore_mem>>)
      %dma_wait3A_90 = arith.constant 0 : i32
      %dma_wait3A_91 = tpu.memref_slice %arg2[%add3A_4, %dma_wait3A_90] : memref<4096x200xi32, #tpu.memory_space<hbm>> -> memref<32x200xi32, #tpu.memory_space<hbm>>
      %dma_wait3A_92 = arith.constant 0 : i32
      %dma_wait3A_93 = tpu.memref_slice %arg2[%add3A_4, %dma_wait3A_92] : memref<4096x200xi32, #tpu.memory_space<hbm>> -> memref<32x200xi32, #tpu.memory_space<hbm>>
      tpu.wait_dma2 semaphore(%run_scoped3A : memref<!tpu.dma_semaphore, #tpu.memory_space<semaphore_mem>>) src(%dma_wait3A_93 : memref<32x200xi32, #tpu.memory_space<hbm>>) dst(%arg5 : memref<32x200xi32, #tpu.memory_space<vmem>>)
      tpu.yield
    }) : () -> ()
    %dma_start3A = arith.constant 0 : i32
    %dma_start3A_5 = arith.constant 0 : i32
    %dma_start3A_6 = arith.constant 0 : i32
    %dma_start3A_7 = arith.constant 0 : i32
    %dma_start3A_8 = tpu.memref_slice %arg6[%dma_start3A_5, %dma_start3A_6, %dma_start3A_7] : memref<2x400x128xf32, #tpu.memory_space<vmem>> -> memref<1x128x128xf32, #tpu.memory_space<vmem>>
    %dma_start3A_9 = tpu.memref_squeeze %dma_start3A_8 : memref<1x128x128xf32, #tpu.memory_space<vmem>> -> memref<128x128xf32, #tpu.memory_space<vmem>>
    %dma_start3A_10 = arith.constant 0 : i32
    %dma_start3A_11 = tpu.memref_slice %arg5[%dma_start3A, %dma_start3A_10] : memref<32x200xi32, #tpu.memory_space<vmem>> -> memref<1x128xi32, #tpu.memory_space<vmem>>
    %dma_start3A_12 = tpu.memref_squeeze %dma_start3A_11 : memref<1x128xi32, #tpu.memory_space<vmem>> -> memref<128xi32, #tpu.memory_space<vmem>>
    %dma_start3A_13 = arith.constant 0 : i32
    %dma_start3A_14 = arith.constant 0 : i32
    %dma_start3A_15 = tpu.memref_slice %arg3[%dma_start3A_13, %dma_start3A_14] : memref<1000000x128xf32, #tpu.memory_space<hbm>> -> memref<1000000x128xf32, #tpu.memory_space<hbm>>
    tpu.enqueue_indirect_dma source(%dma_start3A_15 : memref<1000000x128xf32, #tpu.memory_space<hbm>>) target(%dma_start3A_9 : memref<128x128xf32, #tpu.memory_space<vmem>>) offsets(%dma_start3A_12 : memref<128xi32, #tpu.memory_space<vmem>>) semaphore(%arg7 : memref<!tpu.dma_semaphore, #tpu.memory_space<semaphore_mem>>)
    %dma_start3A_16 = arith.constant 0 : i32
    %dma_start3A_17 = arith.constant 0 : i32
    %dma_start3A_18 = arith.constant 128 : i32
    %dma_start3A_19 = arith.constant 0 : i32
    %dma_start3A_20 = tpu.memref_slice %arg6[%dma_start3A_17, %dma_start3A_18, %dma_start3A_19] : memref<2x400x128xf32, #tpu.memory_space<vmem>> -> memref<1x72x128xf32, #tpu.memory_space<vmem>>
    %dma_start3A_21 = tpu.memref_squeeze %dma_start3A_20 : memref<1x72x128xf32, #tpu.memory_space<vmem>> -> memref<72x128xf32, #tpu.memory_space<vmem>>
    %dma_start3A_22 = arith.constant 128 : i32
    %dma_start3A_23 = tpu.memref_slice %arg5[%dma_start3A_16, %dma_start3A_22] : memref<32x200xi32, #tpu.memory_space<vmem>> -> memref<1x72xi32, #tpu.memory_space<vmem>>
    %dma_start3A_24 = tpu.memref_squeeze %dma_start3A_23 : memref<1x72xi32, #tpu.memory_space<vmem>> -> memref<72xi32, #tpu.memory_space<vmem>>
    %dma_start3A_25 = arith.constant 0 : i32
    %dma_start3A_26 = arith.constant 0 : i32
    %dma_start3A_27 = tpu.memref_slice %arg3[%dma_start3A_25, %dma_start3A_26] : memref<1000000x128xf32, #tpu.memory_space<hbm>> -> memref<1000000x128xf32, #tpu.memory_space<hbm>>
    tpu.enqueue_indirect_dma source(%dma_start3A_27 : memref<1000000x128xf32, #tpu.memory_space<hbm>>) target(%dma_start3A_21 : memref<72x128xf32, #tpu.memory_space<vmem>>) offsets(%dma_start3A_24 : memref<72xi32, #tpu.memory_space<vmem>>) semaphore(%arg7 : memref<!tpu.dma_semaphore, #tpu.memory_space<semaphore_mem>>)
    %dma_start3A_28 = arith.constant 1 : i32
    %dma_start3A_29 = arith.constant 0 : i32
    %dma_start3A_30 = arith.constant 200 : i32
    %dma_start3A_31 = arith.constant 0 : i32
    %dma_start3A_32 = tpu.memref_slice %arg6[%dma_start3A_29, %dma_start3A_30, %dma_start3A_31] : memref<2x400x128xf32, #tpu.memory_space<vmem>> -> memref<1x128x128xf32, #tpu.memory_space<vmem>>
    %dma_start3A_33 = tpu.memref_squeeze %dma_start3A_32 : memref<1x128x128xf32, #tpu.memory_space<vmem>> -> memref<128x128xf32, #tpu.memory_space<vmem>>
    %dma_start3A_34 = arith.constant 0 : i32
    %dma_start3A_35 = tpu.memref_slice %arg5[%dma_start3A_28, %dma_start3A_34] : memref<32x200xi32, #tpu.memory_space<vmem>> -> memref<1x128xi32, #tpu.memory_space<vmem>>
    %dma_start3A_36 = tpu.memref_squeeze %dma_start3A_35 : memref<1x128xi32, #tpu.memory_space<vmem>> -> memref<128xi32, #tpu.memory_space<vmem>>
    %dma_start3A_37 = arith.constant 0 : i32
    %dma_start3A_38 = arith.constant 0 : i32
    %dma_start3A_39 = tpu.memref_slice %arg3[%dma_start3A_37, %dma_start3A_38] : memref<1000000x128xf32, #tpu.memory_space<hbm>> -> memref<1000000x128xf32, #tpu.memory_space<hbm>>
    tpu.enqueue_indirect_dma source(%dma_start3A_39 : memref<1000000x128xf32, #tpu.memory_space<hbm>>) target(%dma_start3A_33 : memref<128x128xf32, #tpu.memory_space<vmem>>) offsets(%dma_start3A_36 : memref<128xi32, #tpu.memory_space<vmem>>) semaphore(%arg7 : memref<!tpu.dma_semaphore, #tpu.memory_space<semaphore_mem>>)
    %dma_start3A_40 = arith.constant 1 : i32
    %dma_start3A_41 = arith.constant 0 : i32
    %dma_start3A_42 = arith.constant 328 : i32
    %dma_start3A_43 = arith.constant 0 : i32
    %dma_start3A_44 = tpu.memref_slice %arg6[%dma_start3A_41, %dma_start3A_42, %dma_start3A_43] : memref<2x400x128xf32, #tpu.memory_space<vmem>> -> memref<1x72x128xf32, #tpu.memory_space<vmem>>
    %dma_start3A_45 = tpu.memref_squeeze %dma_start3A_44 : memref<1x72x128xf32, #tpu.memory_space<vmem>> -> memref<72x128xf32, #tpu.memory_space<vmem>>
    %dma_start3A_46 = arith.constant 128 : i32
    %dma_start3A_47 = tpu.memref_slice %arg5[%dma_start3A_40, %dma_start3A_46] : memref<32x200xi32, #tpu.memory_space<vmem>> -> memref<1x72xi32, #tpu.memory_space<vmem>>
    %dma_start3A_48 = tpu.memref_squeeze %dma_start3A_47 : memref<1x72xi32, #tpu.memory_space<vmem>> -> memref<72xi32, #tpu.memory_space<vmem>>
    %dma_start3A_49 = arith.constant 0 : i32
    %dma_start3A_50 = arith.constant 0 : i32
    %dma_start3A_51 = tpu.memref_slice %arg3[%dma_start3A_49, %dma_start3A_50] : memref<1000000x128xf32, #tpu.memory_space<hbm>> -> memref<1000000x128xf32, #tpu.memory_space<hbm>>
    tpu.enqueue_indirect_dma source(%dma_start3A_51 : memref<1000000x128xf32, #tpu.memory_space<hbm>>) target(%dma_start3A_45 : memref<72x128xf32, #tpu.memory_space<vmem>>) offsets(%dma_start3A_48 : memref<72xi32, #tpu.memory_space<vmem>>) semaphore(%arg7 : memref<!tpu.dma_semaphore, #tpu.memory_space<semaphore_mem>>)
    %scan3A = arith.constant 0 : i32
    %scan3A_52 = arith.constant 0 : i32
    %scan3A_53 = arith.constant 16 : i32
    %scan3A_54 = arith.addi %scan3A_52, %scan3A_53 : i32
    %scan3A_55 = arith.constant 1 : i32
    scf.for %scan3A_86 = %scan3A_52 to %scan3A_54 step %scan3A_55  : i32 {
      %jit3A = arith.constant 2 : i32
      %eq3A = arith.constant 0 : i32
      %eq3A_87 = arith.cmpi eq, %jit3A, %eq3A : i32
      %jit3A_88 = arith.constant 1 : i32
      %select_n3A = arith.select %eq3A_87, %jit3A_88, %jit3A : i32
      %rem3A = arith.remsi %scan3A_86, %select_n3A : i32
      %ne3A = arith.constant 0 : i32
      %ne3A_89 = arith.cmpi ne, %rem3A, %ne3A : i32
      %lt3A = arith.constant 0 : i32
      %lt3A_90 = arith.cmpi slt, %rem3A, %lt3A : i32
      %lt3A_91 = arith.constant 0 : i32
      %lt3A_92 = arith.cmpi slt, %select_n3A, %lt3A_91 : i32
      %ne3A_93 = arith.xori %lt3A_90, %lt3A_92 : i1
      %and3A = arith.andi %ne3A_93, %ne3A_89 : i1
      %add3A_94 = arith.addi %rem3A, %select_n3A : i32
      %select_n3A_95 = arith.select %and3A, %add3A_94, %rem3A : i32
      %dma_wait3A_96 = arith.constant 0 : i32
      %dma_wait3A_97 = arith.constant 0 : i32
      %dma_wait3A_98 = tpu.memref_slice %arg6[%select_n3A_95, %dma_wait3A_96, %dma_wait3A_97] : memref<2x400x128xf32, #tpu.memory_space<vmem>> -> memref<1x400x128xf32, #tpu.memory_space<vmem>>
      %dma_wait3A_99 = tpu.memref_squeeze %dma_wait3A_98 : memref<1x400x128xf32, #tpu.memory_space<vmem>> -> memref<400x128xf32, #tpu.memory_space<vmem>>
      %dma_wait3A_100 = arith.constant 0 : i32
      %dma_wait3A_101 = arith.constant 0 : i32
      %dma_wait3A_102 = tpu.memref_slice %arg4[%dma_wait3A_100, %dma_wait3A_101] : memref<204800x128xf32, #tpu.memory_space<hbm>> -> memref<400x128xf32, #tpu.memory_space<hbm>>
      %dma_wait3A_103 = arith.constant 0 : i32
      %dma_wait3A_104 = arith.constant 0 : i32
      %dma_wait3A_105 = tpu.memref_slice %arg6[%select_n3A_95, %dma_wait3A_103, %dma_wait3A_104] : memref<2x400x128xf32, #tpu.memory_space<vmem>> -> memref<1x400x128xf32, #tpu.memory_space<vmem>>
      %dma_wait3A_106 = tpu.memref_squeeze %dma_wait3A_105 : memref<1x400x128xf32, #tpu.memory_space<vmem>> -> memref<400x128xf32, #tpu.memory_space<vmem>>
      %dma_wait3A_107 = arith.constant 0 : i32
      %dma_wait3A_108 = arith.constant 0 : i32
      %dma_wait3A_109 = tpu.memref_slice %arg4[%dma_wait3A_107, %dma_wait3A_108] : memref<204800x128xf32, #tpu.memory_space<hbm>> -> memref<400x128xf32, #tpu.memory_space<hbm>>
      tpu.wait_dma2 semaphore(%arg7 : memref<!tpu.dma_semaphore, #tpu.memory_space<semaphore_mem>>) src(%dma_wait3A_109 : memref<400x128xf32, #tpu.memory_space<hbm>>) dst(%dma_wait3A_106 : memref<400x128xf32, #tpu.memory_space<vmem>>)
      %add3A_110 = arith.constant 1 : i32
      %add3A_111 = arith.addi %scan3A_86, %add3A_110 : i32
      %lt3A_112 = arith.constant 16 : i32
      %lt3A_113 = arith.cmpi slt, %add3A_111, %lt3A_112 : i32
      %convert_element_type3A = arith.extui %lt3A_113 : i1 to i32
      %cond3A = arith.constant 0 : i32
      %cond3A_114 = arith.cmpi ne, %convert_element_type3A, %cond3A : i32
      scf.if %cond3A_114 {
        %ge3A = arith.constant 1 : i32
        %ge3A_132 = arith.cmpi sge, %scan3A_86, %ge3A : i32
        %convert_element_type3A_133 = arith.extui %ge3A_132 : i1 to i32
        %cond3A_134 = arith.constant 0 : i32
        %cond3A_135 = arith.cmpi ne, %convert_element_type3A_133, %cond3A_134 : i32
        scf.if %cond3A_135 {
          %sub3A_195 = arith.constant 1 : i32
          %sub3A_196 = arith.subi %sub3A_195, %select_n3A_95 : i32
          %dma_wait3A_197 = arith.constant 0 : i32
          %dma_wait3A_198 = arith.constant 0 : i32
          %dma_wait3A_199 = tpu.memref_slice %arg6[%sub3A_196, %dma_wait3A_197, %dma_wait3A_198] : memref<2x400x128xf32, #tpu.memory_space<vmem>> -> memref<1x400x128xf32, #tpu.memory_space<vmem>>
          %dma_wait3A_200 = tpu.memref_squeeze %dma_wait3A_199 : memref<1x400x128xf32, #tpu.memory_space<vmem>> -> memref<400x128xf32, #tpu.memory_space<vmem>>
          %dma_wait3A_201 = arith.constant 0 : i32
          %dma_wait3A_202 = arith.constant 0 : i32
          %dma_wait3A_203 = tpu.memref_slice %arg4[%dma_wait3A_201, %dma_wait3A_202] : memref<204800x128xf32, #tpu.memory_space<hbm>> -> memref<400x128xf32, #tpu.memory_space<hbm>>
          %dma_wait3A_204 = arith.constant 0 : i32
          %dma_wait3A_205 = arith.constant 0 : i32
          %dma_wait3A_206 = tpu.memref_slice %arg6[%sub3A_196, %dma_wait3A_204, %dma_wait3A_205] : memref<2x400x128xf32, #tpu.memory_space<vmem>> -> memref<1x400x128xf32, #tpu.memory_space<vmem>>
          %dma_wait3A_207 = tpu.memref_squeeze %dma_wait3A_206 : memref<1x400x128xf32, #tpu.memory_space<vmem>> -> memref<400x128xf32, #tpu.memory_space<vmem>>
          %dma_wait3A_208 = arith.constant 0 : i32
          %dma_wait3A_209 = arith.constant 0 : i32
          %dma_wait3A_210 = tpu.memref_slice %arg4[%dma_wait3A_208, %dma_wait3A_209] : memref<204800x128xf32, #tpu.memory_space<hbm>> -> memref<400x128xf32, #tpu.memory_space<hbm>>
          tpu.wait_dma2 semaphore(%arg8 : memref<!tpu.dma_semaphore, #tpu.memory_space<semaphore_mem>>) src(%dma_wait3A_210 : memref<400x128xf32, #tpu.memory_space<hbm>>) dst(%dma_wait3A_207 : memref<400x128xf32, #tpu.memory_space<vmem>>)
        } else {
        }
        %add3A_136 = arith.constant 1 : i32
        %add3A_137 = arith.addi %scan3A_86, %add3A_136 : i32
        %sub3A = arith.constant 1 : i32
        %sub3A_138 = arith.subi %sub3A, %select_n3A_95 : i32
        %mul3A_139 = arith.constant 2 : i32
        %mul3A_140 = arith.muli %add3A_137, %mul3A_139 : i32
        %add3A_141 = arith.constant 0 : i32
        %add3A_142 = arith.addi %mul3A_140, %add3A_141 : i32
        %dma_start3A_143 = arith.constant 0 : i32
        %dma_start3A_144 = arith.constant 0 : i32
        %dma_start3A_145 = tpu.memref_slice %arg6[%sub3A_138, %dma_start3A_143, %dma_start3A_144] : memref<2x400x128xf32, #tpu.memory_space<vmem>> -> memref<1x128x128xf32, #tpu.memory_space<vmem>>
        %dma_start3A_146 = tpu.memref_squeeze %dma_start3A_145 : memref<1x128x128xf32, #tpu.memory_space<vmem>> -> memref<128x128xf32, #tpu.memory_space<vmem>>
        %dma_start3A_147 = arith.constant 0 : i32
        %dma_start3A_148 = tpu.memref_slice %arg5[%add3A_142, %dma_start3A_147] : memref<32x200xi32, #tpu.memory_space<vmem>> -> memref<1x128xi32, #tpu.memory_space<vmem>>
        %dma_start3A_149 = tpu.memref_squeeze %dma_start3A_148 : memref<1x128xi32, #tpu.memory_space<vmem>> -> memref<128xi32, #tpu.memory_space<vmem>>
        %dma_start3A_150 = arith.constant 0 : i32
        %dma_start3A_151 = arith.constant 0 : i32
        %dma_start3A_152 = tpu.memref_slice %arg3[%dma_start3A_150, %dma_start3A_151] : memref<1000000x128xf32, #tpu.memory_space<hbm>> -> memref<1000000x128xf32, #tpu.memory_space<hbm>>
        tpu.enqueue_indirect_dma source(%dma_start3A_152 : memref<1000000x128xf32, #tpu.memory_space<hbm>>) target(%dma_start3A_146 : memref<128x128xf32, #tpu.memory_space<vmem>>) offsets(%dma_start3A_149 : memref<128xi32, #tpu.memory_space<vmem>>) semaphore(%arg7 : memref<!tpu.dma_semaphore, #tpu.memory_space<semaphore_mem>>)
        %mul3A_153 = arith.constant 2 : i32
        %mul3A_154 = arith.muli %add3A_137, %mul3A_153 : i32
        %add3A_155 = arith.constant 0 : i32
        %add3A_156 = arith.addi %mul3A_154, %add3A_155 : i32
        %dma_start3A_157 = arith.constant 128 : i32
        %dma_start3A_158 = arith.constant 0 : i32
        %dma_start3A_159 = tpu.memref_slice %arg6[%sub3A_138, %dma_start3A_157, %dma_start3A_158] : memref<2x400x128xf32, #tpu.memory_space<vmem>> -> memref<1x72x128xf32, #tpu.memory_space<vmem>>
        %dma_start3A_160 = tpu.memref_squeeze %dma_start3A_159 : memref<1x72x128xf32, #tpu.memory_space<vmem>> -> memref<72x128xf32, #tpu.memory_space<vmem>>
        %dma_start3A_161 = arith.constant 128 : i32
        %dma_start3A_162 = tpu.memref_slice %arg5[%add3A_156, %dma_start3A_161] : memref<32x200xi32, #tpu.memory_space<vmem>> -> memref<1x72xi32, #tpu.memory_space<vmem>>
        %dma_start3A_163 = tpu.memref_squeeze %dma_start3A_162 : memref<1x72xi32, #tpu.memory_space<vmem>> -> memref<72xi32, #tpu.memory_space<vmem>>
        %dma_start3A_164 = arith.constant 0 : i32
        %dma_start3A_165 = arith.constant 0 : i32
        %dma_start3A_166 = tpu.memref_slice %arg3[%dma_start3A_164, %dma_start3A_165] : memref<1000000x128xf32, #tpu.memory_space<hbm>> -> memref<1000000x128xf32, #tpu.memory_space<hbm>>
        tpu.enqueue_indirect_dma source(%dma_start3A_166 : memref<1000000x128xf32, #tpu.memory_space<hbm>>) target(%dma_start3A_160 : memref<72x128xf32, #tpu.memory_space<vmem>>) offsets(%dma_start3A_163 : memref<72xi32, #tpu.memory_space<vmem>>) semaphore(%arg7 : memref<!tpu.dma_semaphore, #tpu.memory_space<semaphore_mem>>)
        %mul3A_167 = arith.constant 2 : i32
        %mul3A_168 = arith.muli %add3A_137, %mul3A_167 : i32
        %add3A_169 = arith.constant 1 : i32
        %add3A_170 = arith.addi %mul3A_168, %add3A_169 : i32
        %dma_start3A_171 = arith.constant 200 : i32
        %dma_start3A_172 = arith.constant 0 : i32
        %dma_start3A_173 = tpu.memref_slice %arg6[%sub3A_138, %dma_start3A_171, %dma_start3A_172] : memref<2x400x128xf32, #tpu.memory_space<vmem>> -> memref<1x128x128xf32, #tpu.memory_space<vmem>>
        %dma_start3A_174 = tpu.memref_squeeze %dma_start3A_173 : memref<1x128x128xf32, #tpu.memory_space<vmem>> -> memref<128x128xf32, #tpu.memory_space<vmem>>
        %dma_start3A_175 = arith.constant 0 : i32
        %dma_start3A_176 = tpu.memref_slice %arg5[%add3A_170, %dma_start3A_175] : memref<32x200xi32, #tpu.memory_space<vmem>> -> memref<1x128xi32, #tpu.memory_space<vmem>>
        %dma_start3A_177 = tpu.memref_squeeze %dma_start3A_176 : memref<1x128xi32, #tpu.memory_space<vmem>> -> memref<128xi32, #tpu.memory_space<vmem>>
        %dma_start3A_178 = arith.constant 0 : i32
        %dma_start3A_179 = arith.constant 0 : i32
        %dma_start3A_180 = tpu.memref_slice %arg3[%dma_start3A_178, %dma_start3A_179] : memref<1000000x128xf32, #tpu.memory_space<hbm>> -> memref<1000000x128xf32, #tpu.memory_space<hbm>>
        tpu.enqueue_indirect_dma source(%dma_start3A_180 : memref<1000000x128xf32, #tpu.memory_space<hbm>>) target(%dma_start3A_174 : memref<128x128xf32, #tpu.memory_space<vmem>>) offsets(%dma_start3A_177 : memref<128xi32, #tpu.memory_space<vmem>>) semaphore(%arg7 : memref<!tpu.dma_semaphore, #tpu.memory_space<semaphore_mem>>)
        %mul3A_181 = arith.constant 2 : i32
        %mul3A_182 = arith.muli %add3A_137, %mul3A_181 : i32
        %add3A_183 = arith.constant 1 : i32
        %add3A_184 = arith.addi %mul3A_182, %add3A_183 : i32
        %dma_start3A_185 = arith.constant 328 : i32
        %dma_start3A_186 = arith.constant 0 : i32
        %dma_start3A_187 = tpu.memref_slice %arg6[%sub3A_138, %dma_start3A_185, %dma_start3A_186] : memref<2x400x128xf32, #tpu.memory_space<vmem>> -> memref<1x72x128xf32, #tpu.memory_space<vmem>>
        %dma_start3A_188 = tpu.memref_squeeze %dma_start3A_187 : memref<1x72x128xf32, #tpu.memory_space<vmem>> -> memref<72x128xf32, #tpu.memory_space<vmem>>
        %dma_start3A_189 = arith.constant 128 : i32
        %dma_start3A_190 = tpu.memref_slice %arg5[%add3A_184, %dma_start3A_189] : memref<32x200xi32, #tpu.memory_space<vmem>> -> memref<1x72xi32, #tpu.memory_space<vmem>>
        %dma_start3A_191 = tpu.memref_squeeze %dma_start3A_190 : memref<1x72xi32, #tpu.memory_space<vmem>> -> memref<72xi32, #tpu.memory_space<vmem>>
        %dma_start3A_192 = arith.constant 0 : i32
        %dma_start3A_193 = arith.constant 0 : i32
        %dma_start3A_194 = tpu.memref_slice %arg3[%dma_start3A_192, %dma_start3A_193] : memref<1000000x128xf32, #tpu.memory_space<hbm>> -> memref<1000000x128xf32, #tpu.memory_space<hbm>>
        tpu.enqueue_indirect_dma source(%dma_start3A_194 : memref<1000000x128xf32, #tpu.memory_space<hbm>>) target(%dma_start3A_188 : memref<72x128xf32, #tpu.memory_space<vmem>>) offsets(%dma_start3A_191 : memref<72xi32, #tpu.memory_space<vmem>>) semaphore(%arg7 : memref<!tpu.dma_semaphore, #tpu.memory_space<semaphore_mem>>)
      } else {
      }
      %mul3A_115 = arith.constant 2 : i32
      %mul3A_116 = arith.muli %scan3A_86, %mul3A_115 : i32
      %add3A_117 = arith.addi %mul3A_2, %mul3A_116 : i32
      %mul3A_118 = arith.constant 200 : i32
      %mul3A_119 = arith.muli %add3A_117, %mul3A_118 : i32
      %dma_start3A_120 = arith.constant 0 : i32
      %dma_start3A_121 = arith.constant 0 : i32
      %dma_start3A_122 = tpu.memref_slice %arg6[%select_n3A_95, %dma_start3A_120, %dma_start3A_121] : memref<2x400x128xf32, #tpu.memory_space<vmem>> -> memref<1x400x128xf32, #tpu.memory_space<vmem>>
      %dma_start3A_123 = tpu.memref_squeeze %dma_start3A_122 : memref<1x400x128xf32, #tpu.memory_space<vmem>> -> memref<400x128xf32, #tpu.memory_space<vmem>>
      %dma_start3A_124 = arith.constant 0 : i32
      %dma_start3A_125 = tpu.memref_slice %arg4[%mul3A_119, %dma_start3A_124] : memref<204800x128xf32, #tpu.memory_space<hbm>> -> memref<400x128xf32, #tpu.memory_space<hbm>>
      %dma_start3A_126 = arith.constant 0 : i32
      %dma_start3A_127 = tpu.memref_slice %arg4[%mul3A_119, %dma_start3A_126] : memref<204800x128xf32, #tpu.memory_space<hbm>> -> memref<400x128xf32, #tpu.memory_space<hbm>>
      %dma_start3A_128 = arith.constant 0 : i32
      %dma_start3A_129 = arith.constant 0 : i32
      %dma_start3A_130 = tpu.memref_slice %arg6[%select_n3A_95, %dma_start3A_128, %dma_start3A_129] : memref<2x400x128xf32, #tpu.memory_space<vmem>> -> memref<1x400x128xf32, #tpu.memory_space<vmem>>
      %dma_start3A_131 = tpu.memref_squeeze %dma_start3A_130 : memref<1x400x128xf32, #tpu.memory_space<vmem>> -> memref<400x128xf32, #tpu.memory_space<vmem>>
      tpu.enqueue_dma source(%dma_start3A_131 : memref<400x128xf32, #tpu.memory_space<vmem>>) target(%dma_start3A_127 : memref<400x128xf32, #tpu.memory_space<hbm>>) target_semaphore(%arg8 : memref<!tpu.dma_semaphore, #tpu.memory_space<semaphore_mem>>)
    }
    %scan3A_56 = arith.constant 16 : i32
    %dma_wait3A = arith.constant 0 : i32
    %dma_wait3A_57 = arith.constant 0 : i32
    %dma_wait3A_58 = arith.constant 0 : i32
    %dma_wait3A_59 = tpu.memref_slice %arg6[%dma_wait3A, %dma_wait3A_57, %dma_wait3A_58] : memref<2x400x128xf32, #tpu.memory_space<vmem>> -> memref<1x400x128xf32, #tpu.memory_space<vmem>>
    %dma_wait3A_60 = tpu.memref_squeeze %dma_wait3A_59 : memref<1x400x128xf32, #tpu.memory_space<vmem>> -> memref<400x128xf32, #tpu.memory_space<vmem>>
    %dma_wait3A_61 = arith.constant 0 : i32
    %dma_wait3A_62 = arith.constant 0 : i32
    %dma_wait3A_63 = tpu.memref_slice %arg4[%dma_wait3A_61, %dma_wait3A_62] : memref<204800x128xf32, #tpu.memory_space<hbm>> -> memref<400x128xf32, #tpu.memory_space<hbm>>
    %dma_wait3A_64 = arith.constant 0 : i32
    %dma_wait3A_65 = arith.constant 0 : i32
    %dma_wait3A_66 = tpu.memref_slice %arg6[%dma_wait3A, %dma_wait3A_64, %dma_wait3A_65] : memref<2x400x128xf32, #tpu.memory_space<vmem>> -> memref<1x400x128xf32, #tpu.memory_space<vmem>>
    %dma_wait3A_67 = tpu.memref_squeeze %dma_wait3A_66 : memref<1x400x128xf32, #tpu.memory_space<vmem>> -> memref<400x128xf32, #tpu.memory_space<vmem>>
    %dma_wait3A_68 = arith.constant 0 : i32
    %dma_wait3A_69 = arith.constant 0 : i32
    %dma_wait3A_70 = tpu.memref_slice %arg4[%dma_wait3A_68, %dma_wait3A_69] : memref<204800x128xf32, #tpu.memory_space<hbm>> -> memref<400x128xf32, #tpu.memory_space<hbm>>
    tpu.wait_dma2 semaphore(%arg8 : memref<!tpu.dma_semaphore, #tpu.memory_space<semaphore_mem>>) src(%dma_wait3A_70 : memref<400x128xf32, #tpu.memory_space<hbm>>) dst(%dma_wait3A_67 : memref<400x128xf32, #tpu.memory_space<vmem>>)
    %dma_wait3A_71 = arith.constant 1 : i32
    %dma_wait3A_72 = arith.constant 0 : i32
    %dma_wait3A_73 = arith.constant 0 : i32
    %dma_wait3A_74 = tpu.memref_slice %arg6[%dma_wait3A_71, %dma_wait3A_72, %dma_wait3A_73] : memref<2x400x128xf32, #tpu.memory_space<vmem>> -> memref<1x400x128xf32, #tpu.memory_space<vmem>>
    %dma_wait3A_75 = tpu.memref_squeeze %dma_wait3A_74 : memref<1x400x128xf32, #tpu.memory_space<vmem>> -> memref<400x128xf32, #tpu.memory_space<vmem>>
    %dma_wait3A_76 = arith.constant 0 : i32
    %dma_wait3A_77 = arith.constant 0 : i32
    %dma_wait3A_78 = tpu.memref_slice %arg4[%dma_wait3A_76, %dma_wait3A_77] : memref<204800x128xf32, #tpu.memory_space<hbm>> -> memref<400x128xf32, #tpu.memory_space<hbm>>
    %dma_wait3A_79 = arith.constant 0 : i32
    %dma_wait3A_80 = arith.constant 0 : i32
    %dma_wait3A_81 = tpu.memref_slice %arg6[%dma_wait3A_71, %dma_wait3A_79, %dma_wait3A_80] : memref<2x400x128xf32, #tpu.memory_space<vmem>> -> memref<1x400x128xf32, #tpu.memory_space<vmem>>
    %dma_wait3A_82 = tpu.memref_squeeze %dma_wait3A_81 : memref<1x400x128xf32, #tpu.memory_space<vmem>> -> memref<400x128xf32, #tpu.memory_space<vmem>>
    %dma_wait3A_83 = arith.constant 0 : i32
    %dma_wait3A_84 = arith.constant 0 : i32
    %dma_wait3A_85 = tpu.memref_slice %arg4[%dma_wait3A_83, %dma_wait3A_84] : memref<204800x128xf32, #tpu.memory_space<hbm>> -> memref<400x128xf32, #tpu.memory_space<hbm>>
    tpu.wait_dma2 semaphore(%arg8 : memref<!tpu.dma_semaphore, #tpu.memory_space<semaphore_mem>>) src(%dma_wait3A_85 : memref<400x128xf32, #tpu.memory_space<hbm>>) dst(%dma_wait3A_82 : memref<400x128xf32, #tpu.memory_space<vmem>>)
    return
  }
}

module attributes {stable_mosaic.version = 14 : i64} {
  func.func @_ln_body(%arg0: i32, %arg1: memref<25600x128xf32, #tpu.memory_space<vmem>>, %arg2: memref<2x64xf32, #tpu.memory_space<vmem>>, %arg3: memref<200x64x128xf32, #tpu.memory_space<vmem>>) attributes {dimension_semantics = [#tpu.dimension_semantics<arbitrary>], iteration_bounds = array<i64: 8>, scalar_prefetch = 0 : i64, scratch_operands = 0 : i64, tpu.core_type = #tpu.core_type<tc>, window_params = [{transform_indices = @transform_0, window_bounds = array<i64: 25600, 128>}, {pipeline_mode = #tpu.pipeline_mode<synchronous>, transform_indices = @transform_1, window_bounds = array<i64: 2, 64>}, {transform_indices = @transform_2, window_bounds = array<i64: 200, 64, 128>}]} {
    %get3A = arith.constant 0 : index
    %get3A_0 = arith.constant 0 : index
    %get3A_1 = vector.load %arg1[%get3A, %get3A_0] : memref<25600x128xf32, #tpu.memory_space<vmem>>, vector<25600x128xf32>
    %slice3A = vector.extract_strided_slice %get3A_1 {offsets = [0, 0], sizes = [25600, 64], strides = [1, 1]} : vector<25600x128xf32> to vector<25600x64xf32>
    %get3A_2 = arith.constant 0 : index
    %get3A_3 = arith.constant 0 : index
    %get3A_4 = vector.load %arg2[%get3A_2, %get3A_3] : memref<2x64xf32, #tpu.memory_space<vmem>>, vector<1x64xf32>
    %get3A_5 = vector.shape_cast %get3A_4 : vector<1x64xf32> to vector<64xf32>
    %get3A_6 = arith.constant 1 : index
    %get3A_7 = arith.constant 0 : index
    %get3A_8 = vector.load %arg2[%get3A_6, %get3A_7] : memref<2x64xf32, #tpu.memory_space<vmem>>, vector<1x64xf32>
    %get3A_9 = vector.shape_cast %get3A_8 : vector<1x64xf32> to vector<64xf32>
    %reduce_sum3A = arith.constant dense<0.000000e+00> : vector<25600xf32>
    %reduce_sum3A_10 = vector.multi_reduction <add>, %slice3A, %reduce_sum3A [1] : vector<25600x64xf32> to vector<25600xf32>
    %mul3A = arith.constant 1.562500e-02 : f32
    %mul3A_11 = vector.broadcast %mul3A : f32 to vector<25600xf32>
    %mul3A_12 = arith.mulf %reduce_sum3A_10, %mul3A_11 : vector<25600xf32>
    %mul3A_13 = arith.mulf %slice3A, %slice3A : vector<25600x64xf32>
    %reduce_sum3A_14 = arith.constant dense<0.000000e+00> : vector<25600xf32>
    %reduce_sum3A_15 = vector.multi_reduction <add>, %mul3A_13, %reduce_sum3A_14 [1] : vector<25600x64xf32> to vector<25600xf32>
    %mul3A_16 = arith.constant 1.562500e-02 : f32
    %mul3A_17 = vector.broadcast %mul3A_16 : f32 to vector<25600xf32>
    %mul3A_18 = arith.mulf %reduce_sum3A_15, %mul3A_17 : vector<25600xf32>
    %mul3A_19 = arith.mulf %mul3A_12, %mul3A_12 : vector<25600xf32>
    %sub3A = arith.subf %mul3A_18, %mul3A_19 : vector<25600xf32>
    %add3A = arith.constant 9.99999974E-6 : f32
    %add3A_20 = vector.broadcast %add3A : f32 to vector<25600xf32>
    %add3A_21 = arith.addf %sub3A, %add3A_20 : vector<25600xf32>
    %rsqrt3A = math.rsqrt %add3A_21 : vector<25600xf32>
    %broadcast_in_dim3A = vector.shape_cast %mul3A_12 : vector<25600xf32> to vector<25600x1xf32>
    %sub3A_22 = vector.broadcast %broadcast_in_dim3A : vector<25600x1xf32> to vector<25600x64xf32>
    %sub3A_23 = arith.subf %slice3A, %sub3A_22 : vector<25600x64xf32>
    %broadcast_in_dim3A_24 = vector.shape_cast %rsqrt3A : vector<25600xf32> to vector<25600x1xf32>
    %mul3A_25 = vector.broadcast %broadcast_in_dim3A_24 : vector<25600x1xf32> to vector<25600x64xf32>
    %mul3A_26 = arith.mulf %sub3A_23, %mul3A_25 : vector<25600x64xf32>
    %broadcast_in_dim3A_27 = vector.shape_cast %get3A_5 : vector<64xf32> to vector<1x64xf32>
    %mul3A_28 = vector.broadcast %broadcast_in_dim3A_27 : vector<1x64xf32> to vector<25600x64xf32>
    %mul3A_29 = arith.mulf %mul3A_26, %mul3A_28 : vector<25600x64xf32>
    %broadcast_in_dim3A_30 = vector.shape_cast %get3A_9 : vector<64xf32> to vector<1x64xf32>
    %add3A_31 = vector.broadcast %broadcast_in_dim3A_30 : vector<1x64xf32> to vector<25600x64xf32>
    %add3A_32 = arith.addf %mul3A_29, %add3A_31 : vector<25600x64xf32>
    %reshape3A = vector.shape_cast %add3A_32 : vector<25600x64xf32> to vector<128x200x64xf32>
    %transpose3A = tpu.transpose %reshape3A, [1, 2, 0] : vector<128x200x64xf32> -> vector<200x64x128xf32>
    %swap3A = arith.constant 0 : index
    %swap3A_33 = arith.constant 0 : index
    %swap3A_34 = arith.constant 0 : index
    %swap3A_35 = vector.load %arg3[%swap3A, %swap3A_33, %swap3A_34] : memref<200x64x128xf32, #tpu.memory_space<vmem>>, vector<200x64x128xf32>
    tpu.vector_store %arg3[%swap3A, %swap3A_33, %swap3A_34], %transpose3A {strides = array<i32>} : memref<200x64x128xf32, #tpu.memory_space<vmem>>, vector<200x64x128xf32>,
    return
  }
  func.func @transform_0(%arg0: i32) -> (i32, i32) {
    %c0_i32 = arith.constant 0 : i32
    %c0_i32_0 = arith.constant 0 : i32
    return %arg0, %c0_i32 : i32, i32
  }
  func.func @transform_1(%arg0: i32) -> (i32, i32) {
    %c0_i32 = arith.constant 0 : i32
    %c0_i32_0 = arith.constant 0 : i32
    %c0_i32_1 = arith.constant 0 : i32
    return %c0_i32, %c0_i32_0 : i32, i32
  }
  func.func @transform_2(%arg0: i32) -> (i32, i32, i32) {
    %add3A = arith.constant 0 : i32
    %add3A_0 = arith.addi %add3A, %arg0 : i32
    %c0_i32 = arith.constant 0 : i32
    %c0_i32_1 = arith.constant 0 : i32
    %c0_i32_2 = arith.constant 0 : i32
    return %c0_i32, %c0_i32_1, %add3A_0 : i32, i32, i32
  }
}

module attributes {stable_mosaic.version = 14 : i64} {
  func.func @_ln_body_acc(%arg0: i32, %arg1: memref<25600x128xf32, #tpu.memory_space<vmem>>, %arg2: memref<2x64xf32, #tpu.memory_space<vmem>>, %arg3: memref<8x64x128xf32, #tpu.memory_space<vmem>>, %arg4: memref<200x64x128xf32, #tpu.memory_space<vmem>>) attributes {dimension_semantics = [#tpu.dimension_semantics<arbitrary>], iteration_bounds = array<i64: 8>, scalar_prefetch = 0 : i64, scratch_operands = 0 : i64, tpu.core_type = #tpu.core_type<tc>, window_params = [{transform_indices = @transform_0, window_bounds = array<i64: 25600, 128>}, {pipeline_mode = #tpu.pipeline_mode<synchronous>, transform_indices = @transform_1, window_bounds = array<i64: 2, 64>}, {transform_indices = @transform_2, window_bounds = array<i64: 8, 64, 128>}, {transform_indices = @transform_3, window_bounds = array<i64: 200, 64, 128>}]} {
    %get3A = arith.constant 0 : index
    %get3A_0 = arith.constant 0 : index
    %get3A_1 = vector.load %arg1[%get3A, %get3A_0] : memref<25600x128xf32, #tpu.memory_space<vmem>>, vector<25600x128xf32>
    %slice3A = vector.extract_strided_slice %get3A_1 {offsets = [0, 0], sizes = [25600, 64], strides = [1, 1]} : vector<25600x128xf32> to vector<25600x64xf32>
    %get3A_2 = arith.constant 0 : index
    %get3A_3 = arith.constant 0 : index
    %get3A_4 = vector.load %arg2[%get3A_2, %get3A_3] : memref<2x64xf32, #tpu.memory_space<vmem>>, vector<1x64xf32>
    %get3A_5 = vector.shape_cast %get3A_4 : vector<1x64xf32> to vector<64xf32>
    %get3A_6 = arith.constant 1 : index
    %get3A_7 = arith.constant 0 : index
    %get3A_8 = vector.load %arg2[%get3A_6, %get3A_7] : memref<2x64xf32, #tpu.memory_space<vmem>>, vector<1x64xf32>
    %get3A_9 = vector.shape_cast %get3A_8 : vector<1x64xf32> to vector<64xf32>
    %reduce_sum3A = arith.constant dense<0.000000e+00> : vector<25600xf32>
    %reduce_sum3A_10 = vector.multi_reduction <add>, %slice3A, %reduce_sum3A [1] : vector<25600x64xf32> to vector<25600xf32>
    %mul3A = arith.constant 1.562500e-02 : f32
    %mul3A_11 = vector.broadcast %mul3A : f32 to vector<25600xf32>
    %mul3A_12 = arith.mulf %reduce_sum3A_10, %mul3A_11 : vector<25600xf32>
    %mul3A_13 = arith.mulf %slice3A, %slice3A : vector<25600x64xf32>
    %reduce_sum3A_14 = arith.constant dense<0.000000e+00> : vector<25600xf32>
    %reduce_sum3A_15 = vector.multi_reduction <add>, %mul3A_13, %reduce_sum3A_14 [1] : vector<25600x64xf32> to vector<25600xf32>
    %mul3A_16 = arith.constant 1.562500e-02 : f32
    %mul3A_17 = vector.broadcast %mul3A_16 : f32 to vector<25600xf32>
    %mul3A_18 = arith.mulf %reduce_sum3A_15, %mul3A_17 : vector<25600xf32>
    %mul3A_19 = arith.mulf %mul3A_12, %mul3A_12 : vector<25600xf32>
    %sub3A = arith.subf %mul3A_18, %mul3A_19 : vector<25600xf32>
    %add3A = arith.constant 9.99999974E-6 : f32
    %add3A_20 = vector.broadcast %add3A : f32 to vector<25600xf32>
    %add3A_21 = arith.addf %sub3A, %add3A_20 : vector<25600xf32>
    %rsqrt3A = math.rsqrt %add3A_21 : vector<25600xf32>
    %broadcast_in_dim3A = vector.shape_cast %mul3A_12 : vector<25600xf32> to vector<25600x1xf32>
    %sub3A_22 = vector.broadcast %broadcast_in_dim3A : vector<25600x1xf32> to vector<25600x64xf32>
    %sub3A_23 = arith.subf %slice3A, %sub3A_22 : vector<25600x64xf32>
    %broadcast_in_dim3A_24 = vector.shape_cast %rsqrt3A : vector<25600xf32> to vector<25600x1xf32>
    %mul3A_25 = vector.broadcast %broadcast_in_dim3A_24 : vector<25600x1xf32> to vector<25600x64xf32>
    %mul3A_26 = arith.mulf %sub3A_23, %mul3A_25 : vector<25600x64xf32>
    %broadcast_in_dim3A_27 = vector.shape_cast %get3A_5 : vector<64xf32> to vector<1x64xf32>
    %mul3A_28 = vector.broadcast %broadcast_in_dim3A_27 : vector<1x64xf32> to vector<25600x64xf32>
    %mul3A_29 = arith.mulf %mul3A_26, %mul3A_28 : vector<25600x64xf32>
    %broadcast_in_dim3A_30 = vector.shape_cast %get3A_9 : vector<64xf32> to vector<1x64xf32>
    %add3A_31 = vector.broadcast %broadcast_in_dim3A_30 : vector<1x64xf32> to vector<25600x64xf32>
    %add3A_32 = arith.addf %mul3A_29, %add3A_31 : vector<25600x64xf32>
    %reshape3A = vector.shape_cast %add3A_32 : vector<25600x64xf32> to vector<128x200x64xf32>
    %transpose3A = tpu.transpose %reshape3A, [1, 2, 0] : vector<128x200x64xf32> -> vector<200x64x128xf32>
    %swap3A = arith.constant 0 : index
    %swap3A_33 = arith.constant 0 : index
    %swap3A_34 = arith.constant 0 : index
    %swap3A_35 = vector.load %arg4[%swap3A, %swap3A_33, %swap3A_34] : memref<200x64x128xf32, #tpu.memory_space<vmem>>, vector<200x64x128xf32>
    tpu.vector_store %arg4[%swap3A, %swap3A_33, %swap3A_34], %transpose3A {strides = array<i32>} : memref<200x64x128xf32, #tpu.memory_space<vmem>>, vector<200x64x128xf32>,
    return
  }
  func.func @transform_0(%arg0: i32) -> (i32, i32) {
    %c0_i32 = arith.constant 0 : i32
    %c0_i32_0 = arith.constant 0 : i32
    return %arg0, %c0_i32 : i32, i32
  }
  func.func @transform_1(%arg0: i32) -> (i32, i32) {
    %c0_i32 = arith.constant 0 : i32
    %c0_i32_0 = arith.constant 0 : i32
    %c0_i32_1 = arith.constant 0 : i32
    return %c0_i32, %c0_i32_0 : i32, i32
  }
  func.func @transform_2(%arg0: i32) -> (i32, i32, i32) {
    %c0_i32 = arith.constant 0 : i32
    %c0_i32_0 = arith.constant 0 : i32
    %c0_i32_1 = arith.constant 0 : i32
    %c0_i32_2 = arith.constant 0 : i32
    return %c0_i32, %c0_i32_0, %c0_i32_1 : i32, i32, i32
  }
  func.func @transform_3(%arg0: i32) -> (i32, i32, i32) {
    %add3A = arith.constant 8 : i32
    %add3A_0 = arith.addi %add3A, %arg0 : i32
    %c0_i32 = arith.constant 0 : i32
    %c0_i32_1 = arith.constant 0 : i32
    %c0_i32_2 = arith.constant 0 : i32
    return %c0_i32, %c0_i32_1, %add3A_0 : i32, i32, i32
  }
}

module attributes {stable_mosaic.version = 14 : i64} {
  func.func @_ln_body_acc(%arg0: i32, %arg1: memref<25600x128xf32, #tpu.memory_space<vmem>>, %arg2: memref<2x64xf32, #tpu.memory_space<vmem>>, %arg3: memref<8x64x128xf32, #tpu.memory_space<vmem>>, %arg4: memref<200x64x128xf32, #tpu.memory_space<vmem>>) attributes {dimension_semantics = [#tpu.dimension_semantics<arbitrary>], iteration_bounds = array<i64: 8>, scalar_prefetch = 0 : i64, scratch_operands = 0 : i64, tpu.core_type = #tpu.core_type<tc>, window_params = [{transform_indices = @transform_0, window_bounds = array<i64: 25600, 128>}, {pipeline_mode = #tpu.pipeline_mode<synchronous>, transform_indices = @transform_1, window_bounds = array<i64: 2, 64>}, {transform_indices = @transform_2, window_bounds = array<i64: 8, 64, 128>}, {transform_indices = @transform_3, window_bounds = array<i64: 200, 64, 128>}]} {
    %get3A = arith.constant 0 : index
    %get3A_0 = arith.constant 0 : index
    %get3A_1 = vector.load %arg1[%get3A, %get3A_0] : memref<25600x128xf32, #tpu.memory_space<vmem>>, vector<25600x128xf32>
    %slice3A = vector.extract_strided_slice %get3A_1 {offsets = [0, 0], sizes = [25600, 64], strides = [1, 1]} : vector<25600x128xf32> to vector<25600x64xf32>
    %get3A_2 = arith.constant 0 : index
    %get3A_3 = arith.constant 0 : index
    %get3A_4 = vector.load %arg2[%get3A_2, %get3A_3] : memref<2x64xf32, #tpu.memory_space<vmem>>, vector<1x64xf32>
    %get3A_5 = vector.shape_cast %get3A_4 : vector<1x64xf32> to vector<64xf32>
    %get3A_6 = arith.constant 1 : index
    %get3A_7 = arith.constant 0 : index
    %get3A_8 = vector.load %arg2[%get3A_6, %get3A_7] : memref<2x64xf32, #tpu.memory_space<vmem>>, vector<1x64xf32>
    %get3A_9 = vector.shape_cast %get3A_8 : vector<1x64xf32> to vector<64xf32>
    %reduce_sum3A = arith.constant dense<0.000000e+00> : vector<25600xf32>
    %reduce_sum3A_10 = vector.multi_reduction <add>, %slice3A, %reduce_sum3A [1] : vector<25600x64xf32> to vector<25600xf32>
    %mul3A = arith.constant 1.562500e-02 : f32
    %mul3A_11 = vector.broadcast %mul3A : f32 to vector<25600xf32>
    %mul3A_12 = arith.mulf %reduce_sum3A_10, %mul3A_11 : vector<25600xf32>
    %mul3A_13 = arith.mulf %slice3A, %slice3A : vector<25600x64xf32>
    %reduce_sum3A_14 = arith.constant dense<0.000000e+00> : vector<25600xf32>
    %reduce_sum3A_15 = vector.multi_reduction <add>, %mul3A_13, %reduce_sum3A_14 [1] : vector<25600x64xf32> to vector<25600xf32>
    %mul3A_16 = arith.constant 1.562500e-02 : f32
    %mul3A_17 = vector.broadcast %mul3A_16 : f32 to vector<25600xf32>
    %mul3A_18 = arith.mulf %reduce_sum3A_15, %mul3A_17 : vector<25600xf32>
    %mul3A_19 = arith.mulf %mul3A_12, %mul3A_12 : vector<25600xf32>
    %sub3A = arith.subf %mul3A_18, %mul3A_19 : vector<25600xf32>
    %add3A = arith.constant 9.99999974E-6 : f32
    %add3A_20 = vector.broadcast %add3A : f32 to vector<25600xf32>
    %add3A_21 = arith.addf %sub3A, %add3A_20 : vector<25600xf32>
    %rsqrt3A = math.rsqrt %add3A_21 : vector<25600xf32>
    %broadcast_in_dim3A = vector.shape_cast %mul3A_12 : vector<25600xf32> to vector<25600x1xf32>
    %sub3A_22 = vector.broadcast %broadcast_in_dim3A : vector<25600x1xf32> to vector<25600x64xf32>
    %sub3A_23 = arith.subf %slice3A, %sub3A_22 : vector<25600x64xf32>
    %broadcast_in_dim3A_24 = vector.shape_cast %rsqrt3A : vector<25600xf32> to vector<25600x1xf32>
    %mul3A_25 = vector.broadcast %broadcast_in_dim3A_24 : vector<25600x1xf32> to vector<25600x64xf32>
    %mul3A_26 = arith.mulf %sub3A_23, %mul3A_25 : vector<25600x64xf32>
    %broadcast_in_dim3A_27 = vector.shape_cast %get3A_5 : vector<64xf32> to vector<1x64xf32>
    %mul3A_28 = vector.broadcast %broadcast_in_dim3A_27 : vector<1x64xf32> to vector<25600x64xf32>
    %mul3A_29 = arith.mulf %mul3A_26, %mul3A_28 : vector<25600x64xf32>
    %broadcast_in_dim3A_30 = vector.shape_cast %get3A_9 : vector<64xf32> to vector<1x64xf32>
    %add3A_31 = vector.broadcast %broadcast_in_dim3A_30 : vector<1x64xf32> to vector<25600x64xf32>
    %add3A_32 = arith.addf %mul3A_29, %add3A_31 : vector<25600x64xf32>
    %reshape3A = vector.shape_cast %add3A_32 : vector<25600x64xf32> to vector<128x200x64xf32>
    %transpose3A = tpu.transpose %reshape3A, [1, 2, 0] : vector<128x200x64xf32> -> vector<200x64x128xf32>
    %swap3A = arith.constant 0 : index
    %swap3A_33 = arith.constant 0 : index
    %swap3A_34 = arith.constant 0 : index
    %swap3A_35 = vector.load %arg4[%swap3A, %swap3A_33, %swap3A_34] : memref<200x64x128xf32, #tpu.memory_space<vmem>>, vector<200x64x128xf32>
    tpu.vector_store %arg4[%swap3A, %swap3A_33, %swap3A_34], %transpose3A {strides = array<i32>} : memref<200x64x128xf32, #tpu.memory_space<vmem>>, vector<200x64x128xf32>,
    return
  }
  func.func @transform_0(%arg0: i32) -> (i32, i32) {
    %c0_i32 = arith.constant 0 : i32
    %c0_i32_0 = arith.constant 0 : i32
    return %arg0, %c0_i32 : i32, i32
  }
  func.func @transform_1(%arg0: i32) -> (i32, i32) {
    %c0_i32 = arith.constant 0 : i32
    %c0_i32_0 = arith.constant 0 : i32
    %c0_i32_1 = arith.constant 0 : i32
    return %c0_i32, %c0_i32_0 : i32, i32
  }
  func.func @transform_2(%arg0: i32) -> (i32, i32, i32) {
    %c0_i32 = arith.constant 0 : i32
    %c0_i32_0 = arith.constant 0 : i32
    %c0_i32_1 = arith.constant 0 : i32
    %c0_i32_2 = arith.constant 0 : i32
    return %c0_i32, %c0_i32_0, %c0_i32_1 : i32, i32, i32
  }
  func.func @transform_3(%arg0: i32) -> (i32, i32, i32) {
    %add3A = arith.constant 16 : i32
    %add3A_0 = arith.addi %add3A, %arg0 : i32
    %c0_i32 = arith.constant 0 : i32
    %c0_i32_1 = arith.constant 0 : i32
    %c0_i32_2 = arith.constant 0 : i32
    return %c0_i32, %c0_i32_1, %add3A_0 : i32, i32, i32
  }
}

module attributes {stable_mosaic.version = 14 : i64} {
  func.func @_ln_body_acc(%arg0: i32, %arg1: memref<25600x128xf32, #tpu.memory_space<vmem>>, %arg2: memref<2x64xf32, #tpu.memory_space<vmem>>, %arg3: memref<8x64x128xf32, #tpu.memory_space<vmem>>, %arg4: memref<200x64x128xf32, #tpu.memory_space<vmem>>) attributes {dimension_semantics = [#tpu.dimension_semantics<arbitrary>], iteration_bounds = array<i64: 8>, scalar_prefetch = 0 : i64, scratch_operands = 0 : i64, tpu.core_type = #tpu.core_type<tc>, window_params = [{transform_indices = @transform_0, window_bounds = array<i64: 25600, 128>}, {pipeline_mode = #tpu.pipeline_mode<synchronous>, transform_indices = @transform_1, window_bounds = array<i64: 2, 64>}, {transform_indices = @transform_2, window_bounds = array<i64: 8, 64, 128>}, {transform_indices = @transform_3, window_bounds = array<i64: 200, 64, 128>}]} {
    %get3A = arith.constant 0 : index
    %get3A_0 = arith.constant 0 : index
    %get3A_1 = vector.load %arg1[%get3A, %get3A_0] : memref<25600x128xf32, #tpu.memory_space<vmem>>, vector<25600x128xf32>
    %slice3A = vector.extract_strided_slice %get3A_1 {offsets = [0, 0], sizes = [25600, 64], strides = [1, 1]} : vector<25600x128xf32> to vector<25600x64xf32>
    %get3A_2 = arith.constant 0 : index
    %get3A_3 = arith.constant 0 : index
    %get3A_4 = vector.load %arg2[%get3A_2, %get3A_3] : memref<2x64xf32, #tpu.memory_space<vmem>>, vector<1x64xf32>
    %get3A_5 = vector.shape_cast %get3A_4 : vector<1x64xf32> to vector<64xf32>
    %get3A_6 = arith.constant 1 : index
    %get3A_7 = arith.constant 0 : index
    %get3A_8 = vector.load %arg2[%get3A_6, %get3A_7] : memref<2x64xf32, #tpu.memory_space<vmem>>, vector<1x64xf32>
    %get3A_9 = vector.shape_cast %get3A_8 : vector<1x64xf32> to vector<64xf32>
    %reduce_sum3A = arith.constant dense<0.000000e+00> : vector<25600xf32>
    %reduce_sum3A_10 = vector.multi_reduction <add>, %slice3A, %reduce_sum3A [1] : vector<25600x64xf32> to vector<25600xf32>
    %mul3A = arith.constant 1.562500e-02 : f32
    %mul3A_11 = vector.broadcast %mul3A : f32 to vector<25600xf32>
    %mul3A_12 = arith.mulf %reduce_sum3A_10, %mul3A_11 : vector<25600xf32>
    %mul3A_13 = arith.mulf %slice3A, %slice3A : vector<25600x64xf32>
    %reduce_sum3A_14 = arith.constant dense<0.000000e+00> : vector<25600xf32>
    %reduce_sum3A_15 = vector.multi_reduction <add>, %mul3A_13, %reduce_sum3A_14 [1] : vector<25600x64xf32> to vector<25600xf32>
    %mul3A_16 = arith.constant 1.562500e-02 : f32
    %mul3A_17 = vector.broadcast %mul3A_16 : f32 to vector<25600xf32>
    %mul3A_18 = arith.mulf %reduce_sum3A_15, %mul3A_17 : vector<25600xf32>
    %mul3A_19 = arith.mulf %mul3A_12, %mul3A_12 : vector<25600xf32>
    %sub3A = arith.subf %mul3A_18, %mul3A_19 : vector<25600xf32>
    %add3A = arith.constant 9.99999974E-6 : f32
    %add3A_20 = vector.broadcast %add3A : f32 to vector<25600xf32>
    %add3A_21 = arith.addf %sub3A, %add3A_20 : vector<25600xf32>
    %rsqrt3A = math.rsqrt %add3A_21 : vector<25600xf32>
    %broadcast_in_dim3A = vector.shape_cast %mul3A_12 : vector<25600xf32> to vector<25600x1xf32>
    %sub3A_22 = vector.broadcast %broadcast_in_dim3A : vector<25600x1xf32> to vector<25600x64xf32>
    %sub3A_23 = arith.subf %slice3A, %sub3A_22 : vector<25600x64xf32>
    %broadcast_in_dim3A_24 = vector.shape_cast %rsqrt3A : vector<25600xf32> to vector<25600x1xf32>
    %mul3A_25 = vector.broadcast %broadcast_in_dim3A_24 : vector<25600x1xf32> to vector<25600x64xf32>
    %mul3A_26 = arith.mulf %sub3A_23, %mul3A_25 : vector<25600x64xf32>
    %broadcast_in_dim3A_27 = vector.shape_cast %get3A_5 : vector<64xf32> to vector<1x64xf32>
    %mul3A_28 = vector.broadcast %broadcast_in_dim3A_27 : vector<1x64xf32> to vector<25600x64xf32>
    %mul3A_29 = arith.mulf %mul3A_26, %mul3A_28 : vector<25600x64xf32>
    %broadcast_in_dim3A_30 = vector.shape_cast %get3A_9 : vector<64xf32> to vector<1x64xf32>
    %add3A_31 = vector.broadcast %broadcast_in_dim3A_30 : vector<1x64xf32> to vector<25600x64xf32>
    %add3A_32 = arith.addf %mul3A_29, %add3A_31 : vector<25600x64xf32>
    %reshape3A = vector.shape_cast %add3A_32 : vector<25600x64xf32> to vector<128x200x64xf32>
    %transpose3A = tpu.transpose %reshape3A, [1, 2, 0] : vector<128x200x64xf32> -> vector<200x64x128xf32>
    %swap3A = arith.constant 0 : index
    %swap3A_33 = arith.constant 0 : index
    %swap3A_34 = arith.constant 0 : index
    %swap3A_35 = vector.load %arg4[%swap3A, %swap3A_33, %swap3A_34] : memref<200x64x128xf32, #tpu.memory_space<vmem>>, vector<200x64x128xf32>
    tpu.vector_store %arg4[%swap3A, %swap3A_33, %swap3A_34], %transpose3A {strides = array<i32>} : memref<200x64x128xf32, #tpu.memory_space<vmem>>, vector<200x64x128xf32>,
    return
  }
  func.func @transform_0(%arg0: i32) -> (i32, i32) {
    %c0_i32 = arith.constant 0 : i32
    %c0_i32_0 = arith.constant 0 : i32
    return %arg0, %c0_i32 : i32, i32
  }
  func.func @transform_1(%arg0: i32) -> (i32, i32) {
    %c0_i32 = arith.constant 0 : i32
    %c0_i32_0 = arith.constant 0 : i32
    %c0_i32_1 = arith.constant 0 : i32
    return %c0_i32, %c0_i32_0 : i32, i32
  }
  func.func @transform_2(%arg0: i32) -> (i32, i32, i32) {
    %c0_i32 = arith.constant 0 : i32
    %c0_i32_0 = arith.constant 0 : i32
    %c0_i32_1 = arith.constant 0 : i32
    %c0_i32_2 = arith.constant 0 : i32
    return %c0_i32, %c0_i32_0, %c0_i32_1 : i32, i32, i32
  }
  func.func @transform_3(%arg0: i32) -> (i32, i32, i32) {
    %add3A = arith.constant 24 : i32
    %add3A_0 = arith.addi %add3A, %arg0 : i32
    %c0_i32 = arith.constant 0 : i32
    %c0_i32_1 = arith.constant 0 : i32
    %c0_i32_2 = arith.constant 0 : i32
    return %c0_i32, %c0_i32_1, %add3A_0 : i32, i32, i32
  }
}

</mosaic_0001>

<sc_bundles>
// kernel: kernel.10.cloned.1.call-start
scs
__scs_entry_jumppad:
0x0: {  	(pc) =	sbr.rel $0x88, $3  }
0x1: {  	(tag) =	ssettag $0x0;
	lr =	simm.s32 $0x1  }
0x2: {  	[smem:$0x3F9D] =	sst lr;
	_ =	strace $0xD0000000  }
0x3: {  	_ = 	snop  }
0x4: {  	_ = 	snop  }
0x5: {  	_ = 	snop  }
0x6: {  	_ = 	snop  }
0x7: {  	_ = 	snop  }
__scs_overlays_trampoline_lowered:
0x8: {  	[smem:$0x3FAC] =	sst s0  }
0x9: {  	[smem:$0x3FAD] =	sst s1  }
0xa: {  	[smem:$0x3FAE] =	sst s2  }
0xb: {  	[smem:$0x3FAF] =	sst s3  }
0xc: {  	[smem:$0x3FB0] =	sst s4  }
0xd: {  	[smem:$0x3FB1] =	sst s5  }
0xe: {  	[smem:$0x3FB2] =	sst s6  }
0xf: {  	[smem:$0x3FB3] =	sst s7  }
0x10: {  	[smem:$0x3FB4] =	sst s8  }
0x11: {  	[smem:$0x3FB5] =	sst s9;
	s0 =	simm.s32 @!p0 $0x0  }
0x12: {  	s1 =	sld [smem:$0x3F9B];
	s0 =	simm.s32 @p0 $0x1  }
0x13: {  	[smem:$0x3FB6] =	sst s0;
	s0 =	simm.s32 @!p1 $0x0  }
0x14: {  	s2 =	sld [smem:$0x3F9A];
	s0 =	simm.s32 @p1 $0x1  }
0x15: {  	[smem:$0x3FB7] =	sst s0;
	s0 =	simm.s32 @!p2 $0x0  }
0x16: {  	s3 =	sld [smem:$0x3FDB];
	s0 =	simm.s32 @p2 $0x1  }
0x17: {  	s4 =	simm.s32 $0x1BF5;
	[smem:$0x3FB9] =	sst s0  }
0x18: {  	s0 =	sld [smem:$0x3F9C];
	_ =	swait.ge [sflag:s4], $0x0  }
0x19: {  	s7 =	sld [smem:$0x3F9D]  }
0x1a: {  	s8 =	sadd.s32 $0xFFFFE003, lr  }
0x1b: {  	s9 =	sadd.s32 $0xFFFFFEF7, lr;
	s5 =	simm.s32 $0xFFFFFFFF;
	p2 =	slt.u32 s8, $0xFFFFF086  }
0x1c: {  	p1 =	slt.u32 s9, $0xF7A;
	s5 =	simm.s32 @!p2 $0x0  }
0x1d: {  	s5 =	simm.s32 @p1 $0x1;
	p0 =	seq.s32 s7, s2  }
0x1e: {  	s7 =	smul.u32 @!p0 $0xF7A, s2;
	p2 =	seq.s32 @!p0 s5, $0x0  }
0x1f: {  	s9 =	smul.u32 $0xF7A, s1;
	s8 =	simm.s32 @!p0 $0x1BF5;
	p2 =	por !p2, p0  }
0x20: {  	[sflag:s8] =	ssyncset.s32 @!p0 $0xFFFFF086;
	s6 =	sadd.s32 @!p0 s3, s7;
	s7 =	simm.s32 @!p0 $0x108  }
0x21: {  	s3 =	sadd.s32 s3, s9;
	s6 =	sadd.s32 @!p0 $0x88, s6;
	s7 =	simm.s32 @p2 $0x1082  }
0x22: {  	[simem:s7], [sflag:s8] =	dma.local @!p0 [hbm:s6], $0xF7A  }
0x23: {  	s9 =	sor.u32 $0xD0000000, s2;
	s6 =	simm.s32 $0x108;
	_ =	swait.ge @!p0 [sflag:s8], $0x0  }
0x24: {  	s3 =	sadd.s32 $0x88, s3;
	s6 =	simm.s32 @!p1 $0x1082;
	[sflag:s4] =	ssyncset.s32 $0xFFFFF086  }
0x25: {  	[simem:s6], [sflag:s4] =	dma.local [hbm:s3], $0xF7A  }
0x26: {  	[smem:$0x3F9D] =	sst s1;
	(tag) =	ssettag s2;
	_ =	strace s9  }
0x27: {  	s1 =	sld [smem:$0x3FAD]  }
0x28: {  	s2 =	sld [smem:$0x3FAE]  }
0x29: {  	s4 =	sld [smem:$0x3FB0]  }
0x2a: {  	p0 =	seq.s32 s5, $0x0;
	s5 =	sld [smem:$0x3FB1]  }
0x2b: {  	s6 =	sld [smem:$0x3FB2]  }
0x2c: {  	s7 =	sld [smem:$0x3FB3]  }
0x2d: {  	s3 =	simm.s32 $0x108;
	s8 =	sld [smem:$0x3FB4]  }
0x2e: {  	s3 =	simm.s32 @!p0 $0x1082;
	s9 =	sld [smem:$0x3FB5]  }
0x2f: {  	lr =	sadd.s32 s0, s3;
	s0 =	sld [smem:$0x3FAC]  }
0x30: {  	s3 =	sld [smem:$0x3FAF]  }
0x31: {  	[smem:$0x3FB8] =	sst s10  }
0x32: {  	s10 =	sld [smem:$0x3FB6];
	_ =	sdelay $0x3  }
0x33: {  	p0 =	seq.s32 s10, $0x1;
	s10 =	sld [smem:$0x3FB8];
	_ =	sdelay $0x3  }
0x34: {  	[smem:$0x3FB8] =	sst s10  }
0x35: {  	s10 =	sld [smem:$0x3FB7];
	_ =	sdelay $0x3  }
0x36: {  	p1 =	seq.s32 s10, $0x1;
	s10 =	sld [smem:$0x3FB8];
	_ =	sdelay $0x3  }
0x37: {  	[smem:$0x3FB8] =	sst s10  }
0x38: {  	s10 =	sld [smem:$0x3FB9]  }
0x39: {  	_ = 	snop;
	(pc) =	sbr.ind lr, $3  }
0x3a: {  	_ = 	snop  }
0x3b: {  	_ = 	snop  }
0x3c: {  	p2 =	seq.s32 s10, $0x1;
	s10 =	sld [smem:$0x3FB8]  }
0x3d: {  	_ =	shalt  }
0x3e: {  	_ =	shalt  }
0x3f: {  	_ =	shalt  }
0x40: {  	_ =	shalt  }
0x41: {  	_ =	shalt  }
0x42: {  	_ =	shalt  }
0x43: {  	_ =	shalt  }
0x44: {  	_ =	shalt  }
0x45: {  	_ =	shalt  }
0x46: {  	_ =	shalt  }
0x47: {  	_ =	shalt  }
0x48: {  	_ =	shalt  }
0x49: {  	_ =	shalt  }
0x4a: {  	_ =	shalt  }
0x4b: {  	_ =	shalt  }
0x4c: {  	_ =	shalt  }
0x4d: {  	_ =	shalt  }
0x4e: {  	_ =	shalt  }
0x4f: {  	_ =	shalt  }
0x50: {  	_ =	shalt  }
0x51: {  	_ =	shalt  }
0x52: {  	_ =	shalt  }
0x53: {  	_ =	shalt  }
0x54: {  	_ =	shalt  }
0x55: {  	_ =	shalt  }
0x56: {  	_ =	shalt  }
0x57: {  	_ =	shalt  }
0x58: {  	_ =	shalt  }
0x59: {  	_ =	shalt  }
0x5a: {  	_ =	shalt  }
0x5b: {  	_ =	shalt  }
0x5c: {  	_ =	shalt  }
0x5d: {  	_ =	shalt  }
0x5e: {  	_ =	shalt  }
0x5f: {  	_ =	shalt  }
0x60: {  	_ =	shalt  }
0x61: {  	_ =	shalt  }
0x62: {  	_ =	shalt  }
0x63: {  	_ =	shalt  }
0x64: {  	_ =	shalt  }
0x65: {  	_ =	shalt  }
0x66: {  	_ =	shalt  }
0x67: {  	_ =	shalt  }
0x68: {  	_ =	shalt  }
0x69: {  	_ =	shalt  }
0x6a: {  	_ =	shalt  }
0x6b: {  	_ =	shalt  }
0x6c: {  	_ =	shalt  }
0x6d: {  	_ =	shalt  }
0x6e: {  	_ =	shalt  }
0x6f: {  	_ =	shalt  }
0x70: {  	_ =	shalt  }
0x71: {  	_ =	shalt  }
0x72: {  	_ =	shalt  }
0x73: {  	_ =	shalt  }
0x74: {  	_ =	shalt  }
0x75: {  	_ =	shalt  }
0x76: {  	_ =	shalt  }
0x77: {  	_ =	shalt  }
0x78: {  	_ =	shalt  }
0x79: {  	_ =	shalt  }
0x7a: {  	_ =	shalt  }
0x7b: {  	_ =	shalt  }
0x7c: {  	_ =	shalt  }
0x7d: {  	_ =	shalt  }
0x7e: {  	_ =	shalt  }
0x7f: {  	_ =	shalt  }
0x80: {  	_ =	shalt  }
0x81: {  	_ =	shalt  }
0x82: {  	_ =	shalt  }
0x83: {  	_ =	shalt  }
0x84: {  	_ =	shalt  }
0x85: {  	_ =	shalt  }
0x86: {  	_ =	shalt  }
0x87: {  	_ =	shalt  }
.Lfunc_end0:
.L_simem_size_0:
called_computation_lowered:
.L_overlay_start_0:
0x88: {  	s2 =	sld [smem:$0x3FD9]  }
0x89: {  	s3 =	sld [smem:$0x3FFE];
	_ =	sdelay $0x1  }
0x8a: {  	s1 =	srdreg.scid  }
0x8b: {  	s0 =	sand.u32 $0x1, s1  }
0x8c: {  	s16 =	sshll.u32 s0, $0xA;
	s2 =	sadd.s32 s3, s2  }
0x8d: {  	s2 =	sadd.s32 s2, s16  }
0x8e: {  	[smem:$0x3FC4] =	sst s2  }
0x8f: {  	_ = 	snop  }
0x90: {  	(tm) =	ssettm $0x1  }
0x91: {  	s17 =	sld [smem:$0x3FFB];
	_ =	sdelay $0x3  }
0x92: {  	_ =	strace s17  }
0x93: {  	s2 =	sld [smem:$0x3FFC];
	_ =	sdelay $0x3  }
0x94: {  	_ =	strace s2  }
0x95: {  	s2 =	sld [smem:$0x3FFD];
	_ =	sdelay $0x3  }
0x96: {  	_ =	strace s2  }
0x97: {  	_ =	strace $0x8FFFFFFF  }
0x98: {  	s18 =	sld [smem:$0x3FDB];
	_ =	sdelay $0x1  }
0x99: {  	s19 =	simm.s32 $_scs_section_size  }
0x9a: {  	s4 =	simm.s32 $_size__tile_overlayer_lowered;
	s5 =	simm.s32 $_tile_overlayer_lowered  }
0x9b: {  	s22 =	simm.s32 $0x1BFF;
	s21 =	sshll.u32 s5, $0x1;
	s2 =	sadd.s32 s19, s18  }
0x9c: {  	s6 =	simm.s32 $0x0;
	s20 =	sshll.u32 s4, $0x1;
	s4 =	sadd.s32 s21, s2  }
0x9d: {  	[timem:s6], [sflag:s22] =	dma.local [hbm:s4], s20  }
0x9e: {  	_ =	swait.ge [sflag:s22], s20  }
0x9f: {  	s3 =	ssub.s32 $0x0, s20;
	[sflag:s22] =	ssyncset.done $0x0  }
0xa0: {  	[sflag:s22] =	ssyncadd.s32 s3;
	_ =	sdelay $0x1  }
0xa1: {  	s23 =	simm.s32 $0x1B8B  }
0xa2: {  	_ =	swait.ge [sflag:s23], $0x1  }
0xa3: {  	[sflag:s23] =	ssyncset.done $0x0  }
0xa4: {  	s25 =	simm.s32 $0x1B8E;
	s24 =	sld [smem:$0x3FFE];
	[sflag:s23] =	ssyncadd.s32 $0xFFFFFFFF  }
0xa5: {  	s26 =	simm.s32 $execute0_lowered;
	[smem:$0x3FD2] =	sst s25  }
0xa6: {  	s4 =	sshll.u32 s26, $0x1;
	_ =	strace $0x80000046;
	[dreg:$0x1] =	wrdreg $0xFFFFFFFF  }
0xa7: {  	s28 =	simm.s32 $_size_execute0_lowered;
	s2 =	sadd.s32 s2, s4;
	[dreg:$0x0] =	wrdreg $0x0  }
0xa8: {  	s4 =	sshll.u32 s28, $0x1;
	[dreg:$0x2] =	wrdreg s2  }
0xa9: {  	[dreg:$0x3] =	wrdreg s4  }
0xaa: {  	[dreg:$0x4] =	wrdreg $0xC0  }
0xab: {  	_ =	task [dreg:s6], $0x5FFFF  }
0xac: {  	[dreg:$0x1] =	wrdreg $0xFFFFFFFF  }
0xad: {  	[dreg:$0x0] =	wrdreg $0x60  }
0xae: {  	[dreg:$0x2] =	wrdreg s24  }
0xaf: {  	[dreg:$0x3] =	wrdreg $0x9  }
0xb0: {  	_ =	task.clear_ibuf [dreg:s6], $0x4FFFF;
	_ =	strace $0x90000046  }
0xb1: {  	s29 =	simm.s32 $0x9;
	_ =	strace $0x80000048  }
0xb2: {  	_ =	swait.ge [sflag:s29], $0x1  }
0xb3: {  	[sflag:s29] =	ssyncadd.s32 $0xFFFFFFFF  }
0xb4: {  	_ =	strace $0x90000048  }
0xb5: {  	_ =	sfence  }
0xb6: {  	s30 =	sld [smem:$0x0];
	_ =	sdelay $0x2  }
0xb7: {  	s31 =	sshll.u32 s1, $0xD;
	s1 =	sshrl.u32 s1, $0x2  }
0xb8: {  	s3 =	sand.u32 $0x4000, s31;
	s1 =	sadd.s32 s1, s30  }
0xb9: {  	s0 =	sor.u32 s3, s0;
	s1 =	sshll.u32 s1, $0x11  }
0xba: {  	s0 =	sor.u32 s1, s0  }
0xbb: {  	s0 =	sadd.s32 $0x8F2B, s0  }
0xbc: {  	[sflag:s0] =	ssyncadd.remote.s32 $0x1  }
0xbd: {  	_ =	sfence.sel $0xFFFF  }
0xbe: {  	[dreg:$0x0] =	wrdreg $0xFFFFFFFF;
	(pc) =	sbr.abs _section_cstart, $3  }
0xbf: {  	[dreg:$0x1] =	wrdreg $0xFFFFFFFF  }
0xc0: {  	_ =	task.clear_ibuf [dreg:s6], $0x2FFFF;
	_ =	strace $0x9FFFFFFF  }
0xc1: {  	(tm) =	ssettm $0x7FFFFFFF  }
tec
execute0_lowered:
.L_overlay_start_1:
0x0: {  	(tag) =	ssettag $0x1  }
0x1: {  	s3 =	rddreg [dreg:$0x0]  }
0x2: {  	s0 =	rddreg [dreg:$0x1];
	s2 =	simm.s32 $0x0  }
0x3: {  	s4 =	srdreg.scid;
	s1 =	stileid.u32;
	s9 =	simm.s32 $0x2000  }
0x4: {  	s10 =	simm.s32 $0x48;
	s11 =	simm.s32 $0x400;
	s12 =	simm.s32 $0x6000  }
0x5: {  	s13 =	simm.s32 $0x8400;
	s14 =	simm.s32 $0x480;
	s15 =	simm.s32 $0xC400  }
0x6: {  	s16 =	simm.s32 $0x1;
	s17 =	simm.s32 $0x2;
	s18 =	simm.s32 $0x0  }
0x7: {  	[smem:$0x7FF] =	sst s2;
	s4 =	sand.u32 $0x1, s4;
	s7 =	smul.u32 $0x32000, s1  }
0x8: {  	s6 =	sshll.u32 s4, $0xA;
	s31 =	ssub.s32 $0x2, s4;
	s4 =	smul.u32 $0x19000, s4  }
.Ltmp0:
0x9: {  	s5 =	sshll.u32 s1, $0xB;
	_ =	strace $0x80000047;
	(pc) =	sbr.rel .LBB2_1-.Ltmp0, $4  }
0xa: {  	s5 =	sor.u32 s6, s5;
	s7 =	sadd.s32 s7, s3;
	s8 =	sshrl.u32 s31, $0x1  }
0xb: {  	s5 =	sadd.s32 s5, s3;
	s3 =	sadd.s32 $0xF63800, s3;
	s6 =	ssub.s32 s31, s8  }
0xc: {  	s7 =	sadd.s32 s4, s7;
	s8 =	simm.s32 $0x80;
	s4 =	sadd.s32 $0x1400, s5  }
0xd: {  	s5 =	smax.u32 s6, $0x1;
	s6 =	sadd.s32 $0x21400, s7;
	s7 =	simm.s32 $0x3  }
.LBB2_7:
0xe: {  	s18 =	sadd.s32 $0x1, s18  }
0xf: {  	_ =	swait.ge [sflag:s17], $0xC800;
	p0 =	sne.s32 s18, s5  }
.Ltmp1:
0x10: {  	[sflag:s17] =	ssyncset.done $0x0;
	(pc) =	sbr.rel @!p0 .LBB2_8-.Ltmp1, $4  }
0x11: {  	[sflag:s17] =	ssyncadd.s32 $0xFFFF3800  }
0x12: {  	_ =	swait.ge [sflag:s17], $0xC800  }
0x13: {  	[sflag:s17] =	ssyncset.done $0x0  }
0x14: {  	[sflag:s17] =	ssyncadd.s32 $0xFFFF3800  }
.LBB2_1:
0x15: {  	[tilespmem:s2], [sflag:$0x3] =	stream.linear.gather [hbm4b:s4+s2], $0x2000, $0x38;
	[tilespmem:$0x1B000] =	vst v63  }
0x16: {  	_ =	swait.ge [sflag:s7], $0x2000  }
0x17: {  	[sflag:s7] =	ssyncset.done $0x0  }
0x18: {  	[sflag:s7] =	ssyncadd.s32 $0xFFFFE000  }
0x19: {  	[tilespmem:s9], [sflag:$0x1] =	stream.indirect.gather [hbm4b:s3+s8], $0x80, s2, s8, $0xb8;
	[tilespmem:$0x1B000] =	vst v63  }
0x1a: {  	_ = 	snop  }
0x1b: {  	[tilespmem:s12], [sflag:$0x1] =	stream.indirect.gather [hbm4b:s3+s10], $0x80, s11, s10, $0xb8;
	[tilespmem:$0x1B000] =	vst v63  }
.Ltmp2:
0x1c: {  	_ = 	snop;
	(pc) =	sbr.rel .LBB2_2-.Ltmp2, $4  }
0x1d: {  	s19 =	simm.s32 $0x100  }
0x1e: {  	[tilespmem:s13], [sflag:$0x1] =	stream.indirect.gather [hbm4b:s3+s8], $0x80, s8, s8, $0xb8;
	[tilespmem:$0x1B000] =	vst v63  }
0x1f: {  	s20 =	simm.s32 $0x200;
	s21 =	smov.u32 s6;
	s22 =	simm.s32 $0x0  }
0x20: {  	[tilespmem:s15], [sflag:$0x1] =	stream.indirect.gather [hbm4b:s3+s10], $0x80, s14, s10, $0xb8;
	[tilespmem:$0x1B000] =	vst v63  }
.LBB2_5:
0x21: {  	s24 =	sxor.u32 $0x1, s23  }
0x22: {  	s24 =	smul.u32 $0x32000, s24;
	_ =	sdelay $0x1  }
0x23: {  	s25 =	sand.u32 $0x3800, s20;
	s26 =	sand.u32 $0x300, s19;
	s24 =	sshrl.u32 s24, $0x2  }
0x24: {  	s25 =	sor.u32 s26, s25;
	s28 =	sadd.s32 $0x2000, s24  }
0x25: {  	[tilespmem:s28], [sflag:$0x1] =	stream.indirect.gather [hbm4b:s3+s8], $0x80, s25, s8, $0xb8;
	[tilespmem:$0x1B000] =	vst v63  }
0x26: {  	s29 =	sor.u32 $0x400, s25;
	s31 =	sadd.s32 $0x6000, s24  }
0x27: {  	[tilespmem:s31], [sflag:$0x1] =	stream.indirect.gather [hbm4b:s3+s10], $0x80, s29, s10, $0xb8;
	[tilespmem:$0x1B000] =	vst v63  }
0x28: {  	s30 =	sadd.s32 $0x8400, s24;
	s31 =	sor.u32 $0x80, s25  }
0x29: {  	[tilespmem:s30], [sflag:$0x1] =	stream.indirect.gather [hbm4b:s3+s8], $0x80, s31, s8, $0xb8;
	[tilespmem:$0x1B000] =	vst v63  }
0x2a: {  	s24 =	sadd.s32 $0xC400, s24;
	s25 =	sor.u32 $0x480, s25  }
0x2b: {  	[tilespmem:s24], [sflag:$0x1] =	stream.indirect.gather [hbm4b:s3+s10], $0x80, s25, s10, $0xb8;
	[tilespmem:$0x1B000] =	vst v63  }
.LBB2_6:
0x2c: {  	s22 =	sadd.s32 $0x1, s22  }
0x2d: {  	s23 =	smul.u32 $0x32000, s23;
	p0 =	sne.s32 s22, $0x10  }
.Ltmp3:
0x2e: {  	_ = 	snop;
	(pc) =	sbr.rel @!p0 .LBB2_7-.Ltmp3, $4  }
0x2f: {  	s23 =	sshrl.u32 s23, $0x2  }
0x30: {  	s23 =	sadd.s32 $0x2000, s23  }
0x31: {  	[hbm4b:s21+s2] =	stream.linear.scatter [tilespmem:s23], [sflag:$0x2], $0xC800, $0x38;
	[tilespmem:$0x1B000] =	vst v63  }
0x32: {  	s19 =	sadd.s32 $0x100, s19;
	s20 =	sadd.s32 $0x200, s20;
	s21 =	sadd.s32 $0x1900, s21  }
.LBB2_2:
0x33: {  	p0 =	seq.s32 s22, $0x0  }
.Ltmp4:
0x34: {  	_ = 	snop;
	(pc) =	sbr.rel @p0 .LBB2_5-.Ltmp4, $4  }
0x35: {  	_ = 	snop  }
0x36: {  	_ =	swait.ge [sflag:s16], $0xC800  }
0x37: {  	[sflag:s16] =	ssyncset.done $0x0  }
0x38: {  	s23 =	sand.u32 $0x1, s22;
	[sflag:s16] =	ssyncadd.s32 $0xFFFF3800  }
0x39: {  	p0 =	seq.s32 s22, $0xF  }
.Ltmp5:
0x3a: {  	_ = 	snop;
	(pc) =	sbr.rel @p0 .LBB2_6-.Ltmp5, $1  }
0x3b: {  	_ =	sdelay $0x3  }
.Ltmp6:
0x3c: {  	(pc) =	sbr.rel .LBB2_5-.Ltmp6, $4  }
0x3d: {  	_ = 	snop  }
0x3e: {  	_ =	swait.ge [sflag:s17], $0xC800  }
0x3f: {  	[sflag:s17] =	ssyncset.done $0x0  }
0x40: {  	[sflag:s17] =	ssyncadd.s32 $0xFFFF3800  }
.LBB2_8:
0x41: {  	_ =	sfence.sel $0x180000  }
0x42: {  	[bflag:$0x0] =	sbarrier.arrive $0xFFFF  }
0x43: {  	p0 =	sne.s32 s1, $0x0;
	_ =	strace $0x90000047  }
0x44: {  	s0 =	sadd.s32 @!p0 $0x100000, s0;
	[bflag:$0x2] =	sbarrier.arrive $0xFFFF  }
0x45: {  	[sflag:s0] =	ssyncadd.tile.s32 @!p0 $0x1;
	_ =	shalt  }
.Lfunc_end2:
_tile_overlayer_lowered:
.L_overlay_start_2:
0x46: {  	(tag) =	ssettag $0x2  }
0x47: {  	s0 =	rddreg [dreg:$0x0];
	s2 =	stileid.u32  }
0x48: {  	s1 =	rddreg [dreg:$0x1];
	p0 =	sne.s32 s2, $0x0  }
0x49: {  	s3 =	rddreg [dreg:$0x2];
	[bflag:$0x3] =	sbarrier.arrive $0xFFFF;
	s2 =	simm.s32 @!p0 $0x1C03  }
0x4a: {  	[timem:s3], [sflag:s2] =	dma.local @!p0 [hbm:s0], s1  }
0x4b: {  	s0 =	simm.s32 @!p0 $0x3  }
0x4c: {  	_ =	swait.ge @!p0 [sflag:s0], s1  }
0x4d: {  	s1 =	ssub.s32 @!p0 $0x0, s1;
	[sflag:s0] =	ssyncset.done @!p0 $0x0  }
0x4e: {  	[sflag:s0] =	ssyncadd.s32 @!p0 s1  }
0x4f: {  	[bflag:$0x3] =	sbarrier.arrive $0xFFFF  }
0x50: {  	_ =	shalt  }

// kernel: kernel.13.cloned.1.call-start
scs
__scs_entry_jumppad:
0x0: {  	(pc) =	sbr.rel $0x88, $3  }
0x1: {  	(tag) =	ssettag $0x0;
	lr =	simm.s32 $0x1  }
0x2: {  	[smem:$0x3F9D] =	sst lr;
	_ =	strace $0xD0000000  }
0x3: {  	_ = 	snop  }
0x4: {  	_ = 	snop  }
0x5: {  	_ = 	snop  }
0x6: {  	_ = 	snop  }
0x7: {  	_ = 	snop  }
__scs_overlays_trampoline_lowered:
0x8: {  	[smem:$0x3FAC] =	sst s0  }
0x9: {  	[smem:$0x3FAD] =	sst s1  }
0xa: {  	[smem:$0x3FAE] =	sst s2  }
0xb: {  	[smem:$0x3FAF] =	sst s3  }
0xc: {  	[smem:$0x3FB0] =	sst s4  }
0xd: {  	[smem:$0x3FB1] =	sst s5  }
0xe: {  	[smem:$0x3FB2] =	sst s6  }
0xf: {  	[smem:$0x3FB3] =	sst s7  }
0x10: {  	[smem:$0x3FB4] =	sst s8  }
0x11: {  	[smem:$0x3FB5] =	sst s9;
	s0 =	simm.s32 @!p0 $0x0  }
0x12: {  	s1 =	sld [smem:$0x3F9B];
	s0 =	simm.s32 @p0 $0x1  }
0x13: {  	[smem:$0x3FB6] =	sst s0;
	s0 =	simm.s32 @!p1 $0x0  }
0x14: {  	s2 =	sld [smem:$0x3F9A];
	s0 =	simm.s32 @p1 $0x1  }
0x15: {  	[smem:$0x3FB7] =	sst s0;
	s0 =	simm.s32 @!p2 $0x0  }
0x16: {  	s3 =	sld [smem:$0x3FDB];
	s0 =	simm.s32 @p2 $0x1  }
0x17: {  	s4 =	simm.s32 $0x1BF5;
	[smem:$0x3FB9] =	sst s0  }
0x18: {  	s0 =	sld [smem:$0x3F9C];
	_ =	swait.ge [sflag:s4], $0x0  }
0x19: {  	s7 =	sld [smem:$0x3F9D]  }
0x1a: {  	s8 =	sadd.s32 $0xFFFFE003, lr  }
0x1b: {  	s9 =	sadd.s32 $0xFFFFFEF7, lr;
	s5 =	simm.s32 $0xFFFFFFFF;
	p2 =	slt.u32 s8, $0xFFFFF086  }
0x1c: {  	p1 =	slt.u32 s9, $0xF7A;
	s5 =	simm.s32 @!p2 $0x0  }
0x1d: {  	s5 =	simm.s32 @p1 $0x1;
	p0 =	seq.s32 s7, s2  }
0x1e: {  	s7 =	smul.u32 @!p0 $0xF7A, s2;
	p2 =	seq.s32 @!p0 s5, $0x0  }
0x1f: {  	s9 =	smul.u32 $0xF7A, s1;
	s8 =	simm.s32 @!p0 $0x1BF5;
	p2 =	por !p2, p0  }
0x20: {  	[sflag:s8] =	ssyncset.s32 @!p0 $0xFFFFF086;
	s6 =	sadd.s32 @!p0 s3, s7;
	s7 =	simm.s32 @!p0 $0x108  }
0x21: {  	s3 =	sadd.s32 s3, s9;
	s6 =	sadd.s32 @!p0 $0x88, s6;
	s7 =	simm.s32 @p2 $0x1082  }
0x22: {  	[simem:s7], [sflag:s8] =	dma.local @!p0 [hbm:s6], $0xF7A  }
0x23: {  	s9 =	sor.u32 $0xD0000000, s2;
	s6 =	simm.s32 $0x108;
	_ =	swait.ge @!p0 [sflag:s8], $0x0  }
0x24: {  	s3 =	sadd.s32 $0x88, s3;
	s6 =	simm.s32 @!p1 $0x1082;
	[sflag:s4] =	ssyncset.s32 $0xFFFFF086  }
0x25: {  	[simem:s6], [sflag:s4] =	dma.local [hbm:s3], $0xF7A  }
0x26: {  	[smem:$0x3F9D] =	sst s1;
	(tag) =	ssettag s2;
	_ =	strace s9  }
0x27: {  	s1 =	sld [smem:$0x3FAD]  }
0x28: {  	s2 =	sld [smem:$0x3FAE]  }
0x29: {  	s4 =	sld [smem:$0x3FB0]  }
0x2a: {  	p0 =	seq.s32 s5, $0x0;
	s5 =	sld [smem:$0x3FB1]  }
0x2b: {  	s6 =	sld [smem:$0x3FB2]  }
0x2c: {  	s7 =	sld [smem:$0x3FB3]  }
0x2d: {  	s3 =	simm.s32 $0x108;
	s8 =	sld [smem:$0x3FB4]  }
0x2e: {  	s3 =	simm.s32 @!p0 $0x1082;
	s9 =	sld [smem:$0x3FB5]  }
0x2f: {  	lr =	sadd.s32 s0, s3;
	s0 =	sld [smem:$0x3FAC]  }
0x30: {  	s3 =	sld [smem:$0x3FAF]  }
0x31: {  	[smem:$0x3FB8] =	sst s10  }
0x32: {  	s10 =	sld [smem:$0x3FB6];
	_ =	sdelay $0x3  }
0x33: {  	p0 =	seq.s32 s10, $0x1;
	s10 =	sld [smem:$0x3FB8];
	_ =	sdelay $0x3  }
0x34: {  	[smem:$0x3FB8] =	sst s10  }
0x35: {  	s10 =	sld [smem:$0x3FB7];
	_ =	sdelay $0x3  }
0x36: {  	p1 =	seq.s32 s10, $0x1;
	s10 =	sld [smem:$0x3FB8];
	_ =	sdelay $0x3  }
0x37: {  	[smem:$0x3FB8] =	sst s10  }
0x38: {  	s10 =	sld [smem:$0x3FB9]  }
0x39: {  	_ = 	snop;
	(pc) =	sbr.ind lr, $3  }
0x3a: {  	_ = 	snop  }
0x3b: {  	_ = 	snop  }
0x3c: {  	p2 =	seq.s32 s10, $0x1;
	s10 =	sld [smem:$0x3FB8]  }
0x3d: {  	_ =	shalt  }
0x3e: {  	_ =	shalt  }
0x3f: {  	_ =	shalt  }
0x40: {  	_ =	shalt  }
0x41: {  	_ =	shalt  }
0x42: {  	_ =	shalt  }
0x43: {  	_ =	shalt  }
0x44: {  	_ =	shalt  }
0x45: {  	_ =	shalt  }
0x46: {  	_ =	shalt  }
0x47: {  	_ =	shalt  }
0x48: {  	_ =	shalt  }
0x49: {  	_ =	shalt  }
0x4a: {  	_ =	shalt  }
0x4b: {  	_ =	shalt  }
0x4c: {  	_ =	shalt  }
0x4d: {  	_ =	shalt  }
0x4e: {  	_ =	shalt  }
0x4f: {  	_ =	shalt  }
0x50: {  	_ =	shalt  }
0x51: {  	_ =	shalt  }
0x52: {  	_ =	shalt  }
0x53: {  	_ =	shalt  }
0x54: {  	_ =	shalt  }
0x55: {  	_ =	shalt  }
0x56: {  	_ =	shalt  }
0x57: {  	_ =	shalt  }
0x58: {  	_ =	shalt  }
0x59: {  	_ =	shalt  }
0x5a: {  	_ =	shalt  }
0x5b: {  	_ =	shalt  }
0x5c: {  	_ =	shalt  }
0x5d: {  	_ =	shalt  }
0x5e: {  	_ =	shalt  }
0x5f: {  	_ =	shalt  }
0x60: {  	_ =	shalt  }
0x61: {  	_ =	shalt  }
0x62: {  	_ =	shalt  }
0x63: {  	_ =	shalt  }
0x64: {  	_ =	shalt  }
0x65: {  	_ =	shalt  }
0x66: {  	_ =	shalt  }
0x67: {  	_ =	shalt  }
0x68: {  	_ =	shalt  }
0x69: {  	_ =	shalt  }
0x6a: {  	_ =	shalt  }
0x6b: {  	_ =	shalt  }
0x6c: {  	_ =	shalt  }
0x6d: {  	_ =	shalt  }
0x6e: {  	_ =	shalt  }
0x6f: {  	_ =	shalt  }
0x70: {  	_ =	shalt  }
0x71: {  	_ =	shalt  }
0x72: {  	_ =	shalt  }
0x73: {  	_ =	shalt  }
0x74: {  	_ =	shalt  }
0x75: {  	_ =	shalt  }
0x76: {  	_ =	shalt  }
0x77: {  	_ =	shalt  }
0x78: {  	_ =	shalt  }
0x79: {  	_ =	shalt  }
0x7a: {  	_ =	shalt  }
0x7b: {  	_ =	shalt  }
0x7c: {  	_ =	shalt  }
0x7d: {  	_ =	shalt  }
0x7e: {  	_ =	shalt  }
0x7f: {  	_ =	shalt  }
0x80: {  	_ =	shalt  }
0x81: {  	_ =	shalt  }
0x82: {  	_ =	shalt  }
0x83: {  	_ =	shalt  }
0x84: {  	_ =	shalt  }
0x85: {  	_ =	shalt  }
0x86: {  	_ =	shalt  }
0x87: {  	_ =	shalt  }
.Lfunc_end0:
.L_simem_size_0:
called_computation.1_lowered:
.L_overlay_start_0:
0x88: {  	s2 =	sld [smem:$0x3FD9]  }
0x89: {  	s3 =	sld [smem:$0x3FFE];
	_ =	sdelay $0x1  }
0x8a: {  	s1 =	srdreg.scid  }
0x8b: {  	s0 =	sand.u32 $0x1, s1  }
0x8c: {  	s17 =	sshll.u32 s0, $0xA;
	s2 =	sadd.s32 s3, s2  }
0x8d: {  	s2 =	sadd.s32 s2, s17  }
0x8e: {  	[smem:$0x3FC4] =	sst s2  }
0x8f: {  	_ = 	snop  }
0x90: {  	(tm) =	ssettm $0x1  }
0x91: {  	s18 =	sld [smem:$0x3FFB];
	_ =	sdelay $0x3  }
0x92: {  	_ =	strace s18  }
0x93: {  	s2 =	sld [smem:$0x3FFC];
	_ =	sdelay $0x3  }
0x94: {  	_ =	strace s2  }
0x95: {  	s2 =	sld [smem:$0x3FFD];
	_ =	sdelay $0x3  }
0x96: {  	_ =	strace s2  }
0x97: {  	_ =	strace $0x8FFFFFFF  }
0x98: {  	s19 =	sld [smem:$0x3FDB];
	_ =	sdelay $0x1  }
0x99: {  	s20 =	simm.s32 $_scs_section_size  }
0x9a: {  	s4 =	simm.s32 $_size__tile_overlayer_lowered;
	s5 =	simm.s32 $_tile_overlayer_lowered  }
0x9b: {  	s6 =	simm.s32 $0x1BFF;
	s21 =	sshll.u32 s5, $0x1;
	s3 =	sadd.s32 s20, s19  }
0x9c: {  	s22 =	simm.s32 $0x0;
	s4 =	sshll.u32 s4, $0x1;
	s5 =	sadd.s32 s21, s3  }
0x9d: {  	[timem:s22], [sflag:s6] =	dma.local [hbm:s5], s4  }
0x9e: {  	_ =	swait.ge [sflag:s6], s4  }
0x9f: {  	s4 =	ssub.s32 $0x0, s4;
	[sflag:s6] =	ssyncset.done $0x0  }
0xa0: {  	[sflag:s6] =	ssyncadd.s32 s4;
	_ =	sdelay $0x1  }
0xa1: {  	s23 =	simm.s32 $0x1B8B  }
0xa2: {  	_ =	swait.ge [sflag:s23], $0x1  }
0xa3: {  	[sflag:s23] =	ssyncset.done $0x0  }
0xa4: {  	[sflag:s23] =	ssyncadd.s32 $0xFFFFFFFF  }
0xa5: {  	s4 =	sld [smem:$0x0]  }
0xa6: {  	s5 =	sand.u32 $0xFFFFFFFE, s1  }
0xa7: {  	p0 =	sne.s32 s1, s5  }
0xa8: {  	s5 =	sshll.u32 @p0 s5, $0xE  }
0xa9: {  	s5 =	sadd.s32 @p0 $0x11B8D, s5;
	s6 =	sshll.u32 @p0 s4, $0x11  }
0xaa: {  	s5 =	sor.u32 @p0 s6, s5  }
0xab: {  	[sflag:s5] =	ssyncadd.remote.s32 @p0 $0x1;
	_ =	sdelay $0x1  }
0xac: {  	s5 =	simm.s32 @p0 $0x1B8D  }
0xad: {  	_ =	swait.eq @p0 [sflag:s5], $0x1  }
0xae: {  	[sflag:s5] =	ssyncadd.s32 @p0 $0xFFFFFFFF  }
0xaf: {  	s6 =	sshll.u32 @!p0 s1, $0xE  }
0xb0: {  	s6 =	sor.u32 @!p0 $0x4000, s6;
	s5 =	simm.s32 @!p0 $0x1B8D  }
0xb1: {  	s4 =	sshll.u32 @!p0 s4, $0x11;
	s6 =	sadd.s32 @!p0 $0x11B8D, s6;
	_ =	swait.eq @!p0 [sflag:s5], $0x1  }
0xb2: {  	s4 =	sor.u32 @!p0 s4, s6;
	[sflag:s5] =	ssyncadd.s32 @!p0 $0xFFFFFFFF  }
0xb3: {  	s25 =	simm.s32 $0x1B8E;
	s24 =	sld [smem:$0x3FFE];
	[sflag:s4] =	ssyncadd.remote.s32 @!p0 $0x1  }
0xb4: {  	s26 =	simm.s32 $execute0_lowered;
	[smem:$0x3FD2] =	sst s25  }
0xb5: {  	s5 =	sshll.u32 s26, $0x1;
	_ =	strace $0x80000049;
	[dreg:$0x1] =	wrdreg $0xFFFFFFFF  }
0xb6: {  	s28 =	simm.s32 $_size_execute0_lowered;
	s3 =	sadd.s32 s3, s5;
	[dreg:$0x0] =	wrdreg $0x0  }
0xb7: {  	s5 =	sshll.u32 s28, $0x1;
	[dreg:$0x2] =	wrdreg s3  }
0xb8: {  	[dreg:$0x3] =	wrdreg s5  }
0xb9: {  	[dreg:$0x4] =	wrdreg $0xC0  }
0xba: {  	_ =	task [dreg:s22], $0x5FFFF  }
0xbb: {  	[dreg:$0x1] =	wrdreg $0xFFFFFFFF  }
0xbc: {  	[dreg:$0x0] =	wrdreg $0x60  }
0xbd: {  	[dreg:$0x2] =	wrdreg s24  }
0xbe: {  	[dreg:$0x3] =	wrdreg $0xA  }
0xbf: {  	_ =	task.clear_ibuf [dreg:s22], $0x4FFFF;
	_ =	strace $0x90000049  }
0xc0: {  	s29 =	simm.s32 $0xA;
	_ =	strace $0x8000004B  }
0xc1: {  	_ =	swait.ge [sflag:s29], $0x1  }
0xc2: {  	[sflag:s29] =	ssyncadd.s32 $0xFFFFFFFF  }
0xc3: {  	_ =	strace $0x9000004B  }
0xc4: {  	_ =	sfence  }
0xc5: {  	s30 =	sld [smem:$0x0];
	_ =	sdelay $0x2  }
0xc6: {  	s31 =	sshll.u32 s1, $0xD;
	s1 =	sshrl.u32 s1, $0x2  }
0xc7: {  	s4 =	sand.u32 $0x4000, s31;
	s1 =	sadd.s32 s1, s30  }
0xc8: {  	s0 =	sor.u32 s4, s0;
	s1 =	sshll.u32 s1, $0x11  }
0xc9: {  	s0 =	sor.u32 s1, s0  }
0xca: {  	s0 =	sadd.s32 $0x8F2B, s0  }
0xcb: {  	[sflag:s0] =	ssyncadd.remote.s32 $0x1  }
0xcc: {  	_ =	sfence.sel $0xFFFF  }
0xcd: {  	[dreg:$0x0] =	wrdreg $0xFFFFFFFF;
	(pc) =	sbr.abs _section_cstart, $3  }
0xce: {  	[dreg:$0x1] =	wrdreg $0xFFFFFFFF  }
0xcf: {  	_ =	task.clear_ibuf [dreg:s22], $0x2FFFF;
	_ =	strace $0x9FFFFFFF  }
0xd0: {  	(tm) =	ssettm $0x7FFFFFFF  }
0xd1: {  	_ =	shalt  }
tec
execute0_lowered:
.L_overlay_start_1:
0x0: {  	(tag) =	ssettag $0x1  }
0x1: {  	s3 =	rddreg [dreg:$0x0]  }
0x2: {  	s0 =	rddreg [dreg:$0x1];
	s2 =	simm.s32 $0x0  }
0x3: {  	s4 =	srdreg.scid;
	s1 =	stileid.u32;
	s9 =	simm.s32 $0x2000  }
0x4: {  	s10 =	simm.s32 $0x48;
	s11 =	simm.s32 $0x400;
	s12 =	simm.s32 $0x6000  }
0x5: {  	s13 =	simm.s32 $0x8400;
	s14 =	simm.s32 $0x480;
	s15 =	simm.s32 $0xC400  }
0x6: {  	s16 =	simm.s32 $0x1;
	s17 =	simm.s32 $0x2;
	s18 =	simm.s32 $0x0  }
0x7: {  	[smem:$0x7FF] =	sst s2;
	s4 =	sand.u32 $0x1, s4;
	s7 =	smul.u32 $0x32000, s1  }
0x8: {  	s6 =	sshll.u32 s4, $0xA;
	s31 =	ssub.s32 $0x2, s4;
	s4 =	smul.u32 $0x19000, s4  }
.Ltmp0:
0x9: {  	s5 =	sshll.u32 s1, $0xB;
	_ =	strace $0x8000004A;
	(pc) =	sbr.rel .LBB2_1-.Ltmp0, $4  }
0xa: {  	s5 =	sor.u32 s6, s5;
	s7 =	sadd.s32 s7, s3;
	s8 =	sshrl.u32 s31, $0x1  }
0xb: {  	s5 =	sadd.s32 s5, s3;
	s3 =	sadd.s32 $0xF63800, s3;
	s6 =	ssub.s32 s31, s8  }
0xc: {  	s7 =	sadd.s32 s4, s7;
	s8 =	simm.s32 $0x80;
	s4 =	sadd.s32 $0x9400, s5  }
0xd: {  	s5 =	smax.u32 s6, $0x1;
	s6 =	sadd.s32 $0x341400, s7;
	s7 =	simm.s32 $0x3  }
.LBB2_7:
0xe: {  	s18 =	sadd.s32 $0x1, s18  }
0xf: {  	_ =	swait.ge [sflag:s17], $0xC800;
	p0 =	sne.s32 s18, s5  }
.Ltmp1:
0x10: {  	[sflag:s17] =	ssyncset.done $0x0;
	(pc) =	sbr.rel @!p0 .LBB2_8-.Ltmp1, $4  }
0x11: {  	[sflag:s17] =	ssyncadd.s32 $0xFFFF3800  }
0x12: {  	_ =	swait.ge [sflag:s17], $0xC800  }
0x13: {  	[sflag:s17] =	ssyncset.done $0x0  }
0x14: {  	[sflag:s17] =	ssyncadd.s32 $0xFFFF3800  }
.LBB2_1:
0x15: {  	[tilespmem:s2], [sflag:$0x3] =	stream.linear.gather [hbm4b:s4+s2], $0x2000, $0x38;
	[tilespmem:$0x1B000] =	vst v63  }
0x16: {  	_ =	swait.ge [sflag:s7], $0x2000  }
0x17: {  	[sflag:s7] =	ssyncset.done $0x0  }
0x18: {  	[sflag:s7] =	ssyncadd.s32 $0xFFFFE000  }
0x19: {  	[tilespmem:s9], [sflag:$0x1] =	stream.indirect.gather [hbm4b:s3+s8], $0x80, s2, s8, $0xb8;
	[tilespmem:$0x1B000] =	vst v63  }
0x1a: {  	_ = 	snop  }
0x1b: {  	[tilespmem:s12], [sflag:$0x1] =	stream.indirect.gather [hbm4b:s3+s10], $0x80, s11, s10, $0xb8;
	[tilespmem:$0x1B000] =	vst v63  }
.Ltmp2:
0x1c: {  	_ = 	snop;
	(pc) =	sbr.rel .LBB2_2-.Ltmp2, $4  }
0x1d: {  	s19 =	simm.s32 $0x100  }
0x1e: {  	[tilespmem:s13], [sflag:$0x1] =	stream.indirect.gather [hbm4b:s3+s8], $0x80, s8, s8, $0xb8;
	[tilespmem:$0x1B000] =	vst v63  }
0x1f: {  	s20 =	simm.s32 $0x200;
	s21 =	smov.u32 s6;
	s22 =	simm.s32 $0x0  }
0x20: {  	[tilespmem:s15], [sflag:$0x1] =	stream.indirect.gather [hbm4b:s3+s10], $0x80, s14, s10, $0xb8;
	[tilespmem:$0x1B000] =	vst v63  }
.LBB2_5:
0x21: {  	s24 =	sxor.u32 $0x1, s23  }
0x22: {  	s24 =	smul.u32 $0x32000, s24;
	_ =	sdelay $0x1  }
0x23: {  	s25 =	sand.u32 $0x3800, s20;
	s26 =	sand.u32 $0x300, s19;
	s24 =	sshrl.u32 s24, $0x2  }
0x24: {  	s25 =	sor.u32 s26, s25;
	s28 =	sadd.s32 $0x2000, s24  }
0x25: {  	[tilespmem:s28], [sflag:$0x1] =	stream.indirect.gather [hbm4b:s3+s8], $0x80, s25, s8, $0xb8;
	[tilespmem:$0x1B000] =	vst v63  }
0x26: {  	s29 =	sor.u32 $0x400, s25;
	s31 =	sadd.s32 $0x6000, s24  }
0x27: {  	[tilespmem:s31], [sflag:$0x1] =	stream.indirect.gather [hbm4b:s3+s10], $0x80, s29, s10, $0xb8;
	[tilespmem:$0x1B000] =	vst v63  }
0x28: {  	s30 =	sadd.s32 $0x8400, s24;
	s31 =	sor.u32 $0x80, s25  }
0x29: {  	[tilespmem:s30], [sflag:$0x1] =	stream.indirect.gather [hbm4b:s3+s8], $0x80, s31, s8, $0xb8;
	[tilespmem:$0x1B000] =	vst v63  }
0x2a: {  	s24 =	sadd.s32 $0xC400, s24;
	s25 =	sor.u32 $0x480, s25  }
0x2b: {  	[tilespmem:s24], [sflag:$0x1] =	stream.indirect.gather [hbm4b:s3+s10], $0x80, s25, s10, $0xb8;
	[tilespmem:$0x1B000] =	vst v63  }
.LBB2_6:
0x2c: {  	s22 =	sadd.s32 $0x1, s22  }
0x2d: {  	s23 =	smul.u32 $0x32000, s23;
	p0 =	sne.s32 s22, $0x10  }
.Ltmp3:
0x2e: {  	_ = 	snop;
	(pc) =	sbr.rel @!p0 .LBB2_7-.Ltmp3, $4  }
0x2f: {  	s23 =	sshrl.u32 s23, $0x2  }
0x30: {  	s23 =	sadd.s32 $0x2000, s23  }
0x31: {  	[hbm4b:s21+s2] =	stream.linear.scatter [tilespmem:s23], [sflag:$0x2], $0xC800, $0x38;
	[tilespmem:$0x1B000] =	vst v63  }
0x32: {  	s19 =	sadd.s32 $0x100, s19;
	s20 =	sadd.s32 $0x200, s20;
	s21 =	sadd.s32 $0x1900, s21  }
.LBB2_2:
0x33: {  	p0 =	seq.s32 s22, $0x0  }
.Ltmp4:
0x34: {  	_ = 	snop;
	(pc) =	sbr.rel @p0 .LBB2_5-.Ltmp4, $4  }
0x35: {  	_ = 	snop  }
0x36: {  	_ =	swait.ge [sflag:s16], $0xC800  }
0x37: {  	[sflag:s16] =	ssyncset.done $0x0  }
0x38: {  	s23 =	sand.u32 $0x1, s22;
	[sflag:s16] =	ssyncadd.s32 $0xFFFF3800  }
0x39: {  	p0 =	seq.s32 s22, $0xF  }
.Ltmp5:
0x3a: {  	_ = 	snop;
	(pc) =	sbr.rel @p0 .LBB2_6-.Ltmp5, $1  }
0x3b: {  	_ =	sdelay $0x3  }
.Ltmp6:
0x3c: {  	(pc) =	sbr.rel .LBB2_5-.Ltmp6, $4  }
0x3d: {  	_ = 	snop  }
0x3e: {  	_ =	swait.ge [sflag:s17], $0xC800  }
0x3f: {  	[sflag:s17] =	ssyncset.done $0x0  }
0x40: {  	[sflag:s17] =	ssyncadd.s32 $0xFFFF3800  }
.LBB2_8:
0x41: {  	_ =	sfence.sel $0x180000  }
0x42: {  	[bflag:$0x0] =	sbarrier.arrive $0xFFFF  }
0x43: {  	p0 =	sne.s32 s1, $0x0;
	_ =	strace $0x9000004A  }
0x44: {  	s0 =	sadd.s32 @!p0 $0x100000, s0;
	[bflag:$0x2] =	sbarrier.arrive $0xFFFF  }
0x45: {  	[sflag:s0] =	ssyncadd.tile.s32 @!p0 $0x1;
	_ =	shalt  }
.Lfunc_end2:
_tile_overlayer_lowered:
.L_overlay_start_2:
0x46: {  	(tag) =	ssettag $0x2  }
0x47: {  	s0 =	rddreg [dreg:$0x0];
	s2 =	stileid.u32  }
0x48: {  	s1 =	rddreg [dreg:$0x1];
	p0 =	sne.s32 s2, $0x0  }
0x49: {  	s3 =	rddreg [dreg:$0x2];
	[bflag:$0x3] =	sbarrier.arrive $0xFFFF;
	s2 =	simm.s32 @!p0 $0x1C03  }
0x4a: {  	[timem:s3], [sflag:s2] =	dma.local @!p0 [hbm:s0], s1  }
0x4b: {  	s0 =	simm.s32 @!p0 $0x3  }
0x4c: {  	_ =	swait.ge @!p0 [sflag:s0], s1  }
0x4d: {  	s1 =	ssub.s32 @!p0 $0x0, s1;
	[sflag:s0] =	ssyncset.done @!p0 $0x0  }
0x4e: {  	[sflag:s0] =	ssyncadd.s32 @!p0 s1  }
0x4f: {  	[bflag:$0x3] =	sbarrier.arrive $0xFFFF  }
0x50: {  	_ =	shalt  }

// kernel: kernel.16.cloned.1.call-start
scs
__scs_entry_jumppad:
0x0: {  	(pc) =	sbr.rel $0x88, $3  }
0x1: {  	(tag) =	ssettag $0x0;
	lr =	simm.s32 $0x1  }
0x2: {  	[smem:$0x3F9D] =	sst lr;
	_ =	strace $0xD0000000  }
0x3: {  	_ = 	snop  }
0x4: {  	_ = 	snop  }
0x5: {  	_ = 	snop  }
0x6: {  	_ = 	snop  }
0x7: {  	_ = 	snop  }
__scs_overlays_trampoline_lowered:
0x8: {  	[smem:$0x3FAC] =	sst s0  }
0x9: {  	[smem:$0x3FAD] =	sst s1  }
0xa: {  	[smem:$0x3FAE] =	sst s2  }
0xb: {  	[smem:$0x3FAF] =	sst s3  }
0xc: {  	[smem:$0x3FB0] =	sst s4  }
0xd: {  	[smem:$0x3FB1] =	sst s5  }
0xe: {  	[smem:$0x3FB2] =	sst s6  }
0xf: {  	[smem:$0x3FB3] =	sst s7  }
0x10: {  	[smem:$0x3FB4] =	sst s8  }
0x11: {  	[smem:$0x3FB5] =	sst s9;
	s0 =	simm.s32 @!p0 $0x0  }
0x12: {  	s1 =	sld [smem:$0x3F9B];
	s0 =	simm.s32 @p0 $0x1  }
0x13: {  	[smem:$0x3FB6] =	sst s0;
	s0 =	simm.s32 @!p1 $0x0  }
0x14: {  	s2 =	sld [smem:$0x3F9A];
	s0 =	simm.s32 @p1 $0x1  }
0x15: {  	[smem:$0x3FB7] =	sst s0;
	s0 =	simm.s32 @!p2 $0x0  }
0x16: {  	s3 =	sld [smem:$0x3FDB];
	s0 =	simm.s32 @p2 $0x1  }
0x17: {  	s4 =	simm.s32 $0x1BF5;
	[smem:$0x3FB9] =	sst s0  }
0x18: {  	s0 =	sld [smem:$0x3F9C];
	_ =	swait.ge [sflag:s4], $0x0  }
0x19: {  	s7 =	sld [smem:$0x3F9D]  }
0x1a: {  	s8 =	sadd.s32 $0xFFFFE003, lr  }
0x1b: {  	s9 =	sadd.s32 $0xFFFFFEF7, lr;
	s5 =	simm.s32 $0xFFFFFFFF;
	p2 =	slt.u32 s8, $0xFFFFF086  }
0x1c: {  	p1 =	slt.u32 s9, $0xF7A;
	s5 =	simm.s32 @!p2 $0x0  }
0x1d: {  	s5 =	simm.s32 @p1 $0x1;
	p0 =	seq.s32 s7, s2  }
0x1e: {  	s7 =	smul.u32 @!p0 $0xF7A, s2;
	p2 =	seq.s32 @!p0 s5, $0x0  }
0x1f: {  	s9 =	smul.u32 $0xF7A, s1;
	s8 =	simm.s32 @!p0 $0x1BF5;
	p2 =	por !p2, p0  }
0x20: {  	[sflag:s8] =	ssyncset.s32 @!p0 $0xFFFFF086;
	s6 =	sadd.s32 @!p0 s3, s7;
	s7 =	simm.s32 @!p0 $0x108  }
0x21: {  	s3 =	sadd.s32 s3, s9;
	s6 =	sadd.s32 @!p0 $0x88, s6;
	s7 =	simm.s32 @p2 $0x1082  }
0x22: {  	[simem:s7], [sflag:s8] =	dma.local @!p0 [hbm:s6], $0xF7A  }
0x23: {  	s9 =	sor.u32 $0xD0000000, s2;
	s6 =	simm.s32 $0x108;
	_ =	swait.ge @!p0 [sflag:s8], $0x0  }
0x24: {  	s3 =	sadd.s32 $0x88, s3;
	s6 =	simm.s32 @!p1 $0x1082;
	[sflag:s4] =	ssyncset.s32 $0xFFFFF086  }
0x25: {  	[simem:s6], [sflag:s4] =	dma.local [hbm:s3], $0xF7A  }
0x26: {  	[smem:$0x3F9D] =	sst s1;
	(tag) =	ssettag s2;
	_ =	strace s9  }
0x27: {  	s1 =	sld [smem:$0x3FAD]  }
0x28: {  	s2 =	sld [smem:$0x3FAE]  }
0x29: {  	s4 =	sld [smem:$0x3FB0]  }
0x2a: {  	p0 =	seq.s32 s5, $0x0;
	s5 =	sld [smem:$0x3FB1]  }
0x2b: {  	s6 =	sld [smem:$0x3FB2]  }
0x2c: {  	s7 =	sld [smem:$0x3FB3]  }
0x2d: {  	s3 =	simm.s32 $0x108;
	s8 =	sld [smem:$0x3FB4]  }
0x2e: {  	s3 =	simm.s32 @!p0 $0x1082;
	s9 =	sld [smem:$0x3FB5]  }
0x2f: {  	lr =	sadd.s32 s0, s3;
	s0 =	sld [smem:$0x3FAC]  }
0x30: {  	s3 =	sld [smem:$0x3FAF]  }
0x31: {  	[smem:$0x3FB8] =	sst s10  }
0x32: {  	s10 =	sld [smem:$0x3FB6];
	_ =	sdelay $0x3  }
0x33: {  	p0 =	seq.s32 s10, $0x1;
	s10 =	sld [smem:$0x3FB8];
	_ =	sdelay $0x3  }
0x34: {  	[smem:$0x3FB8] =	sst s10  }
0x35: {  	s10 =	sld [smem:$0x3FB7];
	_ =	sdelay $0x3  }
0x36: {  	p1 =	seq.s32 s10, $0x1;
	s10 =	sld [smem:$0x3FB8];
	_ =	sdelay $0x3  }
0x37: {  	[smem:$0x3FB8] =	sst s10  }
0x38: {  	s10 =	sld [smem:$0x3FB9]  }
0x39: {  	_ = 	snop;
	(pc) =	sbr.ind lr, $3  }
0x3a: {  	_ = 	snop  }
0x3b: {  	_ = 	snop  }
0x3c: {  	p2 =	seq.s32 s10, $0x1;
	s10 =	sld [smem:$0x3FB8]  }
0x3d: {  	_ =	shalt  }
0x3e: {  	_ =	shalt  }
0x3f: {  	_ =	shalt  }
0x40: {  	_ =	shalt  }
0x41: {  	_ =	shalt  }
0x42: {  	_ =	shalt  }
0x43: {  	_ =	shalt  }
0x44: {  	_ =	shalt  }
0x45: {  	_ =	shalt  }
0x46: {  	_ =	shalt  }
0x47: {  	_ =	shalt  }
0x48: {  	_ =	shalt  }
0x49: {  	_ =	shalt  }
0x4a: {  	_ =	shalt  }
0x4b: {  	_ =	shalt  }
0x4c: {  	_ =	shalt  }
0x4d: {  	_ =	shalt  }
0x4e: {  	_ =	shalt  }
0x4f: {  	_ =	shalt  }
0x50: {  	_ =	shalt  }
0x51: {  	_ =	shalt  }
0x52: {  	_ =	shalt  }
0x53: {  	_ =	shalt  }
0x54: {  	_ =	shalt  }
0x55: {  	_ =	shalt  }
0x56: {  	_ =	shalt  }
0x57: {  	_ =	shalt  }
0x58: {  	_ =	shalt  }
0x59: {  	_ =	shalt  }
0x5a: {  	_ =	shalt  }
0x5b: {  	_ =	shalt  }
0x5c: {  	_ =	shalt  }
0x5d: {  	_ =	shalt  }
0x5e: {  	_ =	shalt  }
0x5f: {  	_ =	shalt  }
0x60: {  	_ =	shalt  }
0x61: {  	_ =	shalt  }
0x62: {  	_ =	shalt  }
0x63: {  	_ =	shalt  }
0x64: {  	_ =	shalt  }
0x65: {  	_ =	shalt  }
0x66: {  	_ =	shalt  }
0x67: {  	_ =	shalt  }
0x68: {  	_ =	shalt  }
0x69: {  	_ =	shalt  }
0x6a: {  	_ =	shalt  }
0x6b: {  	_ =	shalt  }
0x6c: {  	_ =	shalt  }
0x6d: {  	_ =	shalt  }
0x6e: {  	_ =	shalt  }
0x6f: {  	_ =	shalt  }
0x70: {  	_ =	shalt  }
0x71: {  	_ =	shalt  }
0x72: {  	_ =	shalt  }
0x73: {  	_ =	shalt  }
0x74: {  	_ =	shalt  }
0x75: {  	_ =	shalt  }
0x76: {  	_ =	shalt  }
0x77: {  	_ =	shalt  }
0x78: {  	_ =	shalt  }
0x79: {  	_ =	shalt  }
0x7a: {  	_ =	shalt  }
0x7b: {  	_ =	shalt  }
0x7c: {  	_ =	shalt  }
0x7d: {  	_ =	shalt  }
0x7e: {  	_ =	shalt  }
0x7f: {  	_ =	shalt  }
0x80: {  	_ =	shalt  }
0x81: {  	_ =	shalt  }
0x82: {  	_ =	shalt  }
0x83: {  	_ =	shalt  }
0x84: {  	_ =	shalt  }
0x85: {  	_ =	shalt  }
0x86: {  	_ =	shalt  }
0x87: {  	_ =	shalt  }
.Lfunc_end0:
.L_simem_size_0:
called_computation.2_lowered:
.L_overlay_start_0:
0x88: {  	s2 =	sld [smem:$0x3FD9]  }
0x89: {  	s3 =	sld [smem:$0x3FFE];
	_ =	sdelay $0x1  }
0x8a: {  	s1 =	srdreg.scid  }
0x8b: {  	s0 =	sand.u32 $0x1, s1  }
0x8c: {  	s17 =	sshll.u32 s0, $0xA;
	s2 =	sadd.s32 s3, s2  }
0x8d: {  	s2 =	sadd.s32 s2, s17  }
0x8e: {  	[smem:$0x3FC4] =	sst s2  }
0x8f: {  	_ = 	snop  }
0x90: {  	(tm) =	ssettm $0x1  }
0x91: {  	s18 =	sld [smem:$0x3FFB];
	_ =	sdelay $0x3  }
0x92: {  	_ =	strace s18  }
0x93: {  	s2 =	sld [smem:$0x3FFC];
	_ =	sdelay $0x3  }
0x94: {  	_ =	strace s2  }
0x95: {  	s2 =	sld [smem:$0x3FFD];
	_ =	sdelay $0x3  }
0x96: {  	_ =	strace s2  }
0x97: {  	_ =	strace $0x8FFFFFFF  }
0x98: {  	s19 =	sld [smem:$0x3FDB];
	_ =	sdelay $0x1  }
0x99: {  	s20 =	simm.s32 $_scs_section_size  }
0x9a: {  	s4 =	simm.s32 $_size__tile_overlayer_lowered;
	s5 =	simm.s32 $_tile_overlayer_lowered  }
0x9b: {  	s6 =	simm.s32 $0x1BFF;
	s21 =	sshll.u32 s5, $0x1;
	s3 =	sadd.s32 s20, s19  }
0x9c: {  	s22 =	simm.s32 $0x0;
	s4 =	sshll.u32 s4, $0x1;
	s5 =	sadd.s32 s21, s3  }
0x9d: {  	[timem:s22], [sflag:s6] =	dma.local [hbm:s5], s4  }
0x9e: {  	_ =	swait.ge [sflag:s6], s4  }
0x9f: {  	s4 =	ssub.s32 $0x0, s4;
	[sflag:s6] =	ssyncset.done $0x0  }
0xa0: {  	[sflag:s6] =	ssyncadd.s32 s4;
	_ =	sdelay $0x1  }
0xa1: {  	s23 =	simm.s32 $0x1B8B  }
0xa2: {  	_ =	swait.ge [sflag:s23], $0x1  }
0xa3: {  	[sflag:s23] =	ssyncset.done $0x0  }
0xa4: {  	[sflag:s23] =	ssyncadd.s32 $0xFFFFFFFF  }
0xa5: {  	s4 =	sld [smem:$0x0]  }
0xa6: {  	s5 =	sand.u32 $0xFFFFFFFE, s1  }
0xa7: {  	p0 =	sne.s32 s1, s5  }
0xa8: {  	s5 =	sshll.u32 @p0 s5, $0xE  }
0xa9: {  	s5 =	sadd.s32 @p0 $0x11B8D, s5;
	s6 =	sshll.u32 @p0 s4, $0x11  }
0xaa: {  	s5 =	sor.u32 @p0 s6, s5  }
0xab: {  	[sflag:s5] =	ssyncadd.remote.s32 @p0 $0x1;
	_ =	sdelay $0x1  }
0xac: {  	s5 =	simm.s32 @p0 $0x1B8D  }
0xad: {  	_ =	swait.eq @p0 [sflag:s5], $0x1  }
0xae: {  	[sflag:s5] =	ssyncadd.s32 @p0 $0xFFFFFFFF  }
0xaf: {  	s6 =	sshll.u32 @!p0 s1, $0xE  }
0xb0: {  	s6 =	sor.u32 @!p0 $0x4000, s6;
	s5 =	simm.s32 @!p0 $0x1B8D  }
0xb1: {  	s4 =	sshll.u32 @!p0 s4, $0x11;
	s6 =	sadd.s32 @!p0 $0x11B8D, s6;
	_ =	swait.eq @!p0 [sflag:s5], $0x1  }
0xb2: {  	s4 =	sor.u32 @!p0 s4, s6;
	[sflag:s5] =	ssyncadd.s32 @!p0 $0xFFFFFFFF  }
0xb3: {  	s25 =	simm.s32 $0x1B8E;
	s24 =	sld [smem:$0x3FFE];
	[sflag:s4] =	ssyncadd.remote.s32 @!p0 $0x1  }
0xb4: {  	s26 =	simm.s32 $execute0_lowered;
	[smem:$0x3FD2] =	sst s25  }
0xb5: {  	s5 =	sshll.u32 s26, $0x1;
	_ =	strace $0x8000004C;
	[dreg:$0x1] =	wrdreg $0xFFFFFFFF  }
0xb6: {  	s28 =	simm.s32 $_size_execute0_lowered;
	s3 =	sadd.s32 s3, s5;
	[dreg:$0x0] =	wrdreg $0x0  }
0xb7: {  	s5 =	sshll.u32 s28, $0x1;
	[dreg:$0x2] =	wrdreg s3  }
0xb8: {  	[dreg:$0x3] =	wrdreg s5  }
0xb9: {  	[dreg:$0x4] =	wrdreg $0xC0  }
0xba: {  	_ =	task [dreg:s22], $0x5FFFF  }
0xbb: {  	[dreg:$0x1] =	wrdreg $0xFFFFFFFF  }
0xbc: {  	[dreg:$0x0] =	wrdreg $0x60  }
0xbd: {  	[dreg:$0x2] =	wrdreg s24  }
0xbe: {  	[dreg:$0x3] =	wrdreg $0xB  }
0xbf: {  	_ =	task.clear_ibuf [dreg:s22], $0x4FFFF;
	_ =	strace $0x9000004C  }
0xc0: {  	s29 =	simm.s32 $0xB;
	_ =	strace $0x8000004E  }
0xc1: {  	_ =	swait.ge [sflag:s29], $0x1  }
0xc2: {  	[sflag:s29] =	ssyncadd.s32 $0xFFFFFFFF  }
0xc3: {  	_ =	strace $0x9000004E  }
0xc4: {  	_ =	sfence  }
0xc5: {  	s30 =	sld [smem:$0x0];
	_ =	sdelay $0x2  }
0xc6: {  	s31 =	sshll.u32 s1, $0xD;
	s1 =	sshrl.u32 s1, $0x2  }
0xc7: {  	s4 =	sand.u32 $0x4000, s31;
	s1 =	sadd.s32 s1, s30  }
0xc8: {  	s0 =	sor.u32 s4, s0;
	s1 =	sshll.u32 s1, $0x11  }
0xc9: {  	s0 =	sor.u32 s1, s0  }
0xca: {  	s0 =	sadd.s32 $0x8F2B, s0  }
0xcb: {  	[sflag:s0] =	ssyncadd.remote.s32 $0x1  }
0xcc: {  	_ =	sfence.sel $0xFFFF  }
0xcd: {  	[dreg:$0x0] =	wrdreg $0xFFFFFFFF;
	(pc) =	sbr.abs _section_cstart, $3  }
0xce: {  	[dreg:$0x1] =	wrdreg $0xFFFFFFFF  }
0xcf: {  	_ =	task.clear_ibuf [dreg:s22], $0x2FFFF;
	_ =	strace $0x9FFFFFFF  }
0xd0: {  	(tm) =	ssettm $0x7FFFFFFF  }
0xd1: {  	_ =	shalt  }
tec
execute0_lowered:
.L_overlay_start_1:
0x0: {  	(tag) =	ssettag $0x1  }
0x1: {  	s3 =	rddreg [dreg:$0x0]  }
0x2: {  	s0 =	rddreg [dreg:$0x1];
	s2 =	simm.s32 $0x0  }
0x3: {  	s4 =	srdreg.scid;
	s1 =	stileid.u32;
	s9 =	simm.s32 $0x2000  }
0x4: {  	s10 =	simm.s32 $0x48;
	s11 =	simm.s32 $0x400;
	s12 =	simm.s32 $0x6000  }
0x5: {  	s13 =	simm.s32 $0x8400;
	s14 =	simm.s32 $0x480;
	s15 =	simm.s32 $0xC400  }
0x6: {  	s16 =	simm.s32 $0x1;
	s17 =	simm.s32 $0x2;
	s18 =	simm.s32 $0x0  }
0x7: {  	[smem:$0x7FF] =	sst s2;
	s4 =	sand.u32 $0x1, s4;
	s7 =	smul.u32 $0x32000, s1  }
0x8: {  	s6 =	sshll.u32 s4, $0xA;
	s31 =	ssub.s32 $0x2, s4;
	s4 =	smul.u32 $0x19000, s4  }
.Ltmp0:
0x9: {  	s5 =	sshll.u32 s1, $0xB;
	_ =	strace $0x8000004D;
	(pc) =	sbr.rel .LBB2_1-.Ltmp0, $4  }
0xa: {  	s5 =	sor.u32 s6, s5;
	s7 =	sadd.s32 s7, s3;
	s8 =	sshrl.u32 s31, $0x1  }
0xb: {  	s5 =	sadd.s32 s5, s3;
	s3 =	sadd.s32 $0xF63800, s3;
	s6 =	ssub.s32 s31, s8  }
0xc: {  	s7 =	sadd.s32 s4, s7;
	s8 =	simm.s32 $0x80;
	s4 =	sadd.s32 $0x11400, s5  }
0xd: {  	s5 =	smax.u32 s6, $0x1;
	s6 =	sadd.s32 $0x661400, s7;
	s7 =	simm.s32 $0x3  }
.LBB2_7:
0xe: {  	s18 =	sadd.s32 $0x1, s18  }
0xf: {  	_ =	swait.ge [sflag:s17], $0xC800;
	p0 =	sne.s32 s18, s5  }
.Ltmp1:
0x10: {  	[sflag:s17] =	ssyncset.done $0x0;
	(pc) =	sbr.rel @!p0 .LBB2_8-.Ltmp1, $4  }
0x11: {  	[sflag:s17] =	ssyncadd.s32 $0xFFFF3800  }
0x12: {  	_ =	swait.ge [sflag:s17], $0xC800  }
0x13: {  	[sflag:s17] =	ssyncset.done $0x0  }
0x14: {  	[sflag:s17] =	ssyncadd.s32 $0xFFFF3800  }
.LBB2_1:
0x15: {  	[tilespmem:s2], [sflag:$0x3] =	stream.linear.gather [hbm4b:s4+s2], $0x2000, $0x38;
	[tilespmem:$0x1B000] =	vst v63  }
0x16: {  	_ =	swait.ge [sflag:s7], $0x2000  }
0x17: {  	[sflag:s7] =	ssyncset.done $0x0  }
0x18: {  	[sflag:s7] =	ssyncadd.s32 $0xFFFFE000  }
0x19: {  	[tilespmem:s9], [sflag:$0x1] =	stream.indirect.gather [hbm4b:s3+s8], $0x80, s2, s8, $0xb8;
	[tilespmem:$0x1B000] =	vst v63  }
0x1a: {  	_ = 	snop  }
0x1b: {  	[tilespmem:s12], [sflag:$0x1] =	stream.indirect.gather [hbm4b:s3+s10], $0x80, s11, s10, $0xb8;
	[tilespmem:$0x1B000] =	vst v63  }
.Ltmp2:
0x1c: {  	_ = 	snop;
	(pc) =	sbr.rel .LBB2_2-.Ltmp2, $4  }
0x1d: {  	s19 =	simm.s32 $0x100  }
0x1e: {  	[tilespmem:s13], [sflag:$0x1] =	stream.indirect.gather [hbm4b:s3+s8], $0x80, s8, s8, $0xb8;
	[tilespmem:$0x1B000] =	vst v63  }
0x1f: {  	s20 =	simm.s32 $0x200;
	s21 =	smov.u32 s6;
	s22 =	simm.s32 $0x0  }
0x20: {  	[tilespmem:s15], [sflag:$0x1] =	stream.indirect.gather [hbm4b:s3+s10], $0x80, s14, s10, $0xb8;
	[tilespmem:$0x1B000] =	vst v63  }
.LBB2_5:
0x21: {  	s24 =	sxor.u32 $0x1, s23  }
0x22: {  	s24 =	smul.u32 $0x32000, s24;
	_ =	sdelay $0x1  }
0x23: {  	s25 =	sand.u32 $0x3800, s20;
	s26 =	sand.u32 $0x300, s19;
	s24 =	sshrl.u32 s24, $0x2  }
0x24: {  	s25 =	sor.u32 s26, s25;
	s28 =	sadd.s32 $0x2000, s24  }
0x25: {  	[tilespmem:s28], [sflag:$0x1] =	stream.indirect.gather [hbm4b:s3+s8], $0x80, s25, s8, $0xb8;
	[tilespmem:$0x1B000] =	vst v63  }
0x26: {  	s29 =	sor.u32 $0x400, s25;
	s31 =	sadd.s32 $0x6000, s24  }
0x27: {  	[tilespmem:s31], [sflag:$0x1] =	stream.indirect.gather [hbm4b:s3+s10], $0x80, s29, s10, $0xb8;
	[tilespmem:$0x1B000] =	vst v63  }
0x28: {  	s30 =	sadd.s32 $0x8400, s24;
	s31 =	sor.u32 $0x80, s25  }
0x29: {  	[tilespmem:s30], [sflag:$0x1] =	stream.indirect.gather [hbm4b:s3+s8], $0x80, s31, s8, $0xb8;
	[tilespmem:$0x1B000] =	vst v63  }
0x2a: {  	s24 =	sadd.s32 $0xC400, s24;
	s25 =	sor.u32 $0x480, s25  }
0x2b: {  	[tilespmem:s24], [sflag:$0x1] =	stream.indirect.gather [hbm4b:s3+s10], $0x80, s25, s10, $0xb8;
	[tilespmem:$0x1B000] =	vst v63  }
.LBB2_6:
0x2c: {  	s22 =	sadd.s32 $0x1, s22  }
0x2d: {  	s23 =	smul.u32 $0x32000, s23;
	p0 =	sne.s32 s22, $0x10  }
.Ltmp3:
0x2e: {  	_ = 	snop;
	(pc) =	sbr.rel @!p0 .LBB2_7-.Ltmp3, $4  }
0x2f: {  	s23 =	sshrl.u32 s23, $0x2  }
0x30: {  	s23 =	sadd.s32 $0x2000, s23  }
0x31: {  	[hbm4b:s21+s2] =	stream.linear.scatter [tilespmem:s23], [sflag:$0x2], $0xC800, $0x38;
	[tilespmem:$0x1B000] =	vst v63  }
0x32: {  	s19 =	sadd.s32 $0x100, s19;
	s20 =	sadd.s32 $0x200, s20;
	s21 =	sadd.s32 $0x1900, s21  }
.LBB2_2:
0x33: {  	p0 =	seq.s32 s22, $0x0  }
.Ltmp4:
0x34: {  	_ = 	snop;
	(pc) =	sbr.rel @p0 .LBB2_5-.Ltmp4, $4  }
0x35: {  	_ = 	snop  }
0x36: {  	_ =	swait.ge [sflag:s16], $0xC800  }
0x37: {  	[sflag:s16] =	ssyncset.done $0x0  }
0x38: {  	s23 =	sand.u32 $0x1, s22;
	[sflag:s16] =	ssyncadd.s32 $0xFFFF3800  }
0x39: {  	p0 =	seq.s32 s22, $0xF  }
.Ltmp5:
0x3a: {  	_ = 	snop;
	(pc) =	sbr.rel @p0 .LBB2_6-.Ltmp5, $1  }
0x3b: {  	_ =	sdelay $0x3  }
.Ltmp6:
0x3c: {  	(pc) =	sbr.rel .LBB2_5-.Ltmp6, $4  }
0x3d: {  	_ = 	snop  }
0x3e: {  	_ =	swait.ge [sflag:s17], $0xC800  }
0x3f: {  	[sflag:s17] =	ssyncset.done $0x0  }
0x40: {  	[sflag:s17] =	ssyncadd.s32 $0xFFFF3800  }
.LBB2_8:
0x41: {  	_ =	sfence.sel $0x180000  }
0x42: {  	[bflag:$0x0] =	sbarrier.arrive $0xFFFF  }
0x43: {  	p0 =	sne.s32 s1, $0x0;
	_ =	strace $0x9000004D  }
0x44: {  	s0 =	sadd.s32 @!p0 $0x100000, s0;
	[bflag:$0x2] =	sbarrier.arrive $0xFFFF  }
0x45: {  	[sflag:s0] =	ssyncadd.tile.s32 @!p0 $0x1;
	_ =	shalt  }
.Lfunc_end2:
_tile_overlayer_lowered:
.L_overlay_start_2:
0x46: {  	(tag) =	ssettag $0x2  }
0x47: {  	s0 =	rddreg [dreg:$0x0];
	s2 =	stileid.u32  }
0x48: {  	s1 =	rddreg [dreg:$0x1];
	p0 =	sne.s32 s2, $0x0  }
0x49: {  	s3 =	rddreg [dreg:$0x2];
	[bflag:$0x3] =	sbarrier.arrive $0xFFFF;
	s2 =	simm.s32 @!p0 $0x1C03  }
0x4a: {  	[timem:s3], [sflag:s2] =	dma.local @!p0 [hbm:s0], s1  }
0x4b: {  	s0 =	simm.s32 @!p0 $0x3  }
0x4c: {  	_ =	swait.ge @!p0 [sflag:s0], s1  }
0x4d: {  	s1 =	ssub.s32 @!p0 $0x0, s1;
	[sflag:s0] =	ssyncset.done @!p0 $0x0  }
0x4e: {  	[sflag:s0] =	ssyncadd.s32 @!p0 s1  }
0x4f: {  	[bflag:$0x3] =	sbarrier.arrive $0xFFFF  }
0x50: {  	_ =	shalt  }

// kernel: kernel.19.cloned.1.call-start
scs
__scs_entry_jumppad:
0x0: {  	(pc) =	sbr.rel $0x88, $3  }
0x1: {  	(tag) =	ssettag $0x0;
	lr =	simm.s32 $0x1  }
0x2: {  	[smem:$0x3F9D] =	sst lr;
	_ =	strace $0xD0000000  }
0x3: {  	_ = 	snop  }
0x4: {  	_ = 	snop  }
0x5: {  	_ = 	snop  }
0x6: {  	_ = 	snop  }
0x7: {  	_ = 	snop  }
__scs_overlays_trampoline_lowered:
0x8: {  	[smem:$0x3FAC] =	sst s0  }
0x9: {  	[smem:$0x3FAD] =	sst s1  }
0xa: {  	[smem:$0x3FAE] =	sst s2  }
0xb: {  	[smem:$0x3FAF] =	sst s3  }
0xc: {  	[smem:$0x3FB0] =	sst s4  }
0xd: {  	[smem:$0x3FB1] =	sst s5  }
0xe: {  	[smem:$0x3FB2] =	sst s6  }
0xf: {  	[smem:$0x3FB3] =	sst s7  }
0x10: {  	[smem:$0x3FB4] =	sst s8  }
0x11: {  	[smem:$0x3FB5] =	sst s9;
	s0 =	simm.s32 @!p0 $0x0  }
0x12: {  	s1 =	sld [smem:$0x3F9B];
	s0 =	simm.s32 @p0 $0x1  }
0x13: {  	[smem:$0x3FB6] =	sst s0;
	s0 =	simm.s32 @!p1 $0x0  }
0x14: {  	s2 =	sld [smem:$0x3F9A];
	s0 =	simm.s32 @p1 $0x1  }
0x15: {  	[smem:$0x3FB7] =	sst s0;
	s0 =	simm.s32 @!p2 $0x0  }
0x16: {  	s3 =	sld [smem:$0x3FDB];
	s0 =	simm.s32 @p2 $0x1  }
0x17: {  	s4 =	simm.s32 $0x1BF5;
	[smem:$0x3FB9] =	sst s0  }
0x18: {  	s0 =	sld [smem:$0x3F9C];
	_ =	swait.ge [sflag:s4], $0x0  }
0x19: {  	s7 =	sld [smem:$0x3F9D]  }
0x1a: {  	s8 =	sadd.s32 $0xFFFFE003, lr  }
0x1b: {  	s9 =	sadd.s32 $0xFFFFFEF7, lr;
	s5 =	simm.s32 $0xFFFFFFFF;
	p2 =	slt.u32 s8, $0xFFFFF086  }
0x1c: {  	p1 =	slt.u32 s9, $0xF7A;
	s5 =	simm.s32 @!p2 $0x0  }
0x1d: {  	s5 =	simm.s32 @p1 $0x1;
	p0 =	seq.s32 s7, s2  }
0x1e: {  	s7 =	smul.u32 @!p0 $0xF7A, s2;
	p2 =	seq.s32 @!p0 s5, $0x0  }
0x1f: {  	s9 =	smul.u32 $0xF7A, s1;
	s8 =	simm.s32 @!p0 $0x1BF5;
	p2 =	por !p2, p0  }
0x20: {  	[sflag:s8] =	ssyncset.s32 @!p0 $0xFFFFF086;
	s6 =	sadd.s32 @!p0 s3, s7;
	s7 =	simm.s32 @!p0 $0x108  }
0x21: {  	s3 =	sadd.s32 s3, s9;
	s6 =	sadd.s32 @!p0 $0x88, s6;
	s7 =	simm.s32 @p2 $0x1082  }
0x22: {  	[simem:s7], [sflag:s8] =	dma.local @!p0 [hbm:s6], $0xF7A  }
0x23: {  	s9 =	sor.u32 $0xD0000000, s2;
	s6 =	simm.s32 $0x108;
	_ =	swait.ge @!p0 [sflag:s8], $0x0  }
0x24: {  	s3 =	sadd.s32 $0x88, s3;
	s6 =	simm.s32 @!p1 $0x1082;
	[sflag:s4] =	ssyncset.s32 $0xFFFFF086  }
0x25: {  	[simem:s6], [sflag:s4] =	dma.local [hbm:s3], $0xF7A  }
0x26: {  	[smem:$0x3F9D] =	sst s1;
	(tag) =	ssettag s2;
	_ =	strace s9  }
0x27: {  	s1 =	sld [smem:$0x3FAD]  }
0x28: {  	s2 =	sld [smem:$0x3FAE]  }
0x29: {  	s4 =	sld [smem:$0x3FB0]  }
0x2a: {  	p0 =	seq.s32 s5, $0x0;
	s5 =	sld [smem:$0x3FB1]  }
0x2b: {  	s6 =	sld [smem:$0x3FB2]  }
0x2c: {  	s7 =	sld [smem:$0x3FB3]  }
0x2d: {  	s3 =	simm.s32 $0x108;
	s8 =	sld [smem:$0x3FB4]  }
0x2e: {  	s3 =	simm.s32 @!p0 $0x1082;
	s9 =	sld [smem:$0x3FB5]  }
0x2f: {  	lr =	sadd.s32 s0, s3;
	s0 =	sld [smem:$0x3FAC]  }
0x30: {  	s3 =	sld [smem:$0x3FAF]  }
0x31: {  	[smem:$0x3FB8] =	sst s10  }
0x32: {  	s10 =	sld [smem:$0x3FB6];
	_ =	sdelay $0x3  }
0x33: {  	p0 =	seq.s32 s10, $0x1;
	s10 =	sld [smem:$0x3FB8];
	_ =	sdelay $0x3  }
0x34: {  	[smem:$0x3FB8] =	sst s10  }
0x35: {  	s10 =	sld [smem:$0x3FB7];
	_ =	sdelay $0x3  }
0x36: {  	p1 =	seq.s32 s10, $0x1;
	s10 =	sld [smem:$0x3FB8];
	_ =	sdelay $0x3  }
0x37: {  	[smem:$0x3FB8] =	sst s10  }
0x38: {  	s10 =	sld [smem:$0x3FB9]  }
0x39: {  	_ = 	snop;
	(pc) =	sbr.ind lr, $3  }
0x3a: {  	_ = 	snop  }
0x3b: {  	_ = 	snop  }
0x3c: {  	p2 =	seq.s32 s10, $0x1;
	s10 =	sld [smem:$0x3FB8]  }
0x3d: {  	_ =	shalt  }
0x3e: {  	_ =	shalt  }
0x3f: {  	_ =	shalt  }
0x40: {  	_ =	shalt  }
0x41: {  	_ =	shalt  }
0x42: {  	_ =	shalt  }
0x43: {  	_ =	shalt  }
0x44: {  	_ =	shalt  }
0x45: {  	_ =	shalt  }
0x46: {  	_ =	shalt  }
0x47: {  	_ =	shalt  }
0x48: {  	_ =	shalt  }
0x49: {  	_ =	shalt  }
0x4a: {  	_ =	shalt  }
0x4b: {  	_ =	shalt  }
0x4c: {  	_ =	shalt  }
0x4d: {  	_ =	shalt  }
0x4e: {  	_ =	shalt  }
0x4f: {  	_ =	shalt  }
0x50: {  	_ =	shalt  }
0x51: {  	_ =	shalt  }
0x52: {  	_ =	shalt  }
0x53: {  	_ =	shalt  }
0x54: {  	_ =	shalt  }
0x55: {  	_ =	shalt  }
0x56: {  	_ =	shalt  }
0x57: {  	_ =	shalt  }
0x58: {  	_ =	shalt  }
0x59: {  	_ =	shalt  }
0x5a: {  	_ =	shalt  }
0x5b: {  	_ =	shalt  }
0x5c: {  	_ =	shalt  }
0x5d: {  	_ =	shalt  }
0x5e: {  	_ =	shalt  }
0x5f: {  	_ =	shalt  }
0x60: {  	_ =	shalt  }
0x61: {  	_ =	shalt  }
0x62: {  	_ =	shalt  }
0x63: {  	_ =	shalt  }
0x64: {  	_ =	shalt  }
0x65: {  	_ =	shalt  }
0x66: {  	_ =	shalt  }
0x67: {  	_ =	shalt  }
0x68: {  	_ =	shalt  }
0x69: {  	_ =	shalt  }
0x6a: {  	_ =	shalt  }
0x6b: {  	_ =	shalt  }
0x6c: {  	_ =	shalt  }
0x6d: {  	_ =	shalt  }
0x6e: {  	_ =	shalt  }
0x6f: {  	_ =	shalt  }
0x70: {  	_ =	shalt  }
0x71: {  	_ =	shalt  }
0x72: {  	_ =	shalt  }
0x73: {  	_ =	shalt  }
0x74: {  	_ =	shalt  }
0x75: {  	_ =	shalt  }
0x76: {  	_ =	shalt  }
0x77: {  	_ =	shalt  }
0x78: {  	_ =	shalt  }
0x79: {  	_ =	shalt  }
0x7a: {  	_ =	shalt  }
0x7b: {  	_ =	shalt  }
0x7c: {  	_ =	shalt  }
0x7d: {  	_ =	shalt  }
0x7e: {  	_ =	shalt  }
0x7f: {  	_ =	shalt  }
0x80: {  	_ =	shalt  }
0x81: {  	_ =	shalt  }
0x82: {  	_ =	shalt  }
0x83: {  	_ =	shalt  }
0x84: {  	_ =	shalt  }
0x85: {  	_ =	shalt  }
0x86: {  	_ =	shalt  }
0x87: {  	_ =	shalt  }
.Lfunc_end0:
.L_simem_size_0:
called_computation.3_lowered:
.L_overlay_start_0:
0x88: {  	s2 =	sld [smem:$0x3FD9]  }
0x89: {  	s3 =	sld [smem:$0x3FFE];
	_ =	sdelay $0x1  }
0x8a: {  	s1 =	srdreg.scid  }
0x8b: {  	s0 =	sand.u32 $0x1, s1  }
0x8c: {  	s17 =	sshll.u32 s0, $0xA;
	s2 =	sadd.s32 s3, s2  }
0x8d: {  	s2 =	sadd.s32 s2, s17  }
0x8e: {  	[smem:$0x3FC4] =	sst s2  }
0x8f: {  	_ = 	snop  }
0x90: {  	(tm) =	ssettm $0x1  }
0x91: {  	s18 =	sld [smem:$0x3FFB];
	_ =	sdelay $0x3  }
0x92: {  	_ =	strace s18  }
0x93: {  	s2 =	sld [smem:$0x3FFC];
	_ =	sdelay $0x3  }
0x94: {  	_ =	strace s2  }
0x95: {  	s2 =	sld [smem:$0x3FFD];
	_ =	sdelay $0x3  }
0x96: {  	_ =	strace s2  }
0x97: {  	_ =	strace $0x8FFFFFFF  }
0x98: {  	s19 =	sld [smem:$0x3FDB];
	_ =	sdelay $0x1  }
0x99: {  	s20 =	simm.s32 $_scs_section_size  }
0x9a: {  	s4 =	simm.s32 $_size__tile_overlayer_lowered;
	s5 =	simm.s32 $_tile_overlayer_lowered  }
0x9b: {  	s6 =	simm.s32 $0x1BFF;
	s21 =	sshll.u32 s5, $0x1;
	s3 =	sadd.s32 s20, s19  }
0x9c: {  	s22 =	simm.s32 $0x0;
	s4 =	sshll.u32 s4, $0x1;
	s5 =	sadd.s32 s21, s3  }
0x9d: {  	[timem:s22], [sflag:s6] =	dma.local [hbm:s5], s4  }
0x9e: {  	_ =	swait.ge [sflag:s6], s4  }
0x9f: {  	s4 =	ssub.s32 $0x0, s4;
	[sflag:s6] =	ssyncset.done $0x0  }
0xa0: {  	[sflag:s6] =	ssyncadd.s32 s4;
	_ =	sdelay $0x1  }
0xa1: {  	s23 =	simm.s32 $0x1B8B  }
0xa2: {  	_ =	swait.ge [sflag:s23], $0x1  }
0xa3: {  	[sflag:s23] =	ssyncset.done $0x0  }
0xa4: {  	[sflag:s23] =	ssyncadd.s32 $0xFFFFFFFF  }
0xa5: {  	s4 =	sld [smem:$0x0]  }
0xa6: {  	s5 =	sand.u32 $0xFFFFFFFE, s1  }
0xa7: {  	p0 =	sne.s32 s1, s5  }
0xa8: {  	s5 =	sshll.u32 @p0 s5, $0xE  }
0xa9: {  	s5 =	sadd.s32 @p0 $0x11B8D, s5;
	s6 =	sshll.u32 @p0 s4, $0x11  }
0xaa: {  	s5 =	sor.u32 @p0 s6, s5  }
0xab: {  	[sflag:s5] =	ssyncadd.remote.s32 @p0 $0x1;
	_ =	sdelay $0x1  }
0xac: {  	s5 =	simm.s32 @p0 $0x1B8D  }
0xad: {  	_ =	swait.eq @p0 [sflag:s5], $0x1  }
0xae: {  	[sflag:s5] =	ssyncadd.s32 @p0 $0xFFFFFFFF  }
0xaf: {  	s6 =	sshll.u32 @!p0 s1, $0xE  }
0xb0: {  	s6 =	sor.u32 @!p0 $0x4000, s6;
	s5 =	simm.s32 @!p0 $0x1B8D  }
0xb1: {  	s4 =	sshll.u32 @!p0 s4, $0x11;
	s6 =	sadd.s32 @!p0 $0x11B8D, s6;
	_ =	swait.eq @!p0 [sflag:s5], $0x1  }
0xb2: {  	s4 =	sor.u32 @!p0 s4, s6;
	[sflag:s5] =	ssyncadd.s32 @!p0 $0xFFFFFFFF  }
0xb3: {  	s25 =	simm.s32 $0x1B8E;
	s24 =	sld [smem:$0x3FFE];
	[sflag:s4] =	ssyncadd.remote.s32 @!p0 $0x1  }
0xb4: {  	s26 =	simm.s32 $execute0_lowered;
	[smem:$0x3FD2] =	sst s25  }
0xb5: {  	s5 =	sshll.u32 s26, $0x1;
	_ =	strace $0x8000004F;
	[dreg:$0x1] =	wrdreg $0xFFFFFFFF  }
0xb6: {  	s28 =	simm.s32 $_size_execute0_lowered;
	s3 =	sadd.s32 s3, s5;
	[dreg:$0x0] =	wrdreg $0x0  }
0xb7: {  	s5 =	sshll.u32 s28, $0x1;
	[dreg:$0x2] =	wrdreg s3  }
0xb8: {  	[dreg:$0x3] =	wrdreg s5  }
0xb9: {  	[dreg:$0x4] =	wrdreg $0xC0  }
0xba: {  	_ =	task [dreg:s22], $0x5FFFF  }
0xbb: {  	[dreg:$0x1] =	wrdreg $0xFFFFFFFF  }
0xbc: {  	[dreg:$0x0] =	wrdreg $0x60  }
0xbd: {  	[dreg:$0x2] =	wrdreg s24  }
0xbe: {  	[dreg:$0x3] =	wrdreg $0xC  }
0xbf: {  	_ =	task.clear_ibuf [dreg:s22], $0x4FFFF;
	_ =	strace $0x9000004F  }
0xc0: {  	s29 =	simm.s32 $0xC;
	_ =	strace $0x80000051  }
0xc1: {  	_ =	swait.ge [sflag:s29], $0x1  }
0xc2: {  	[sflag:s29] =	ssyncadd.s32 $0xFFFFFFFF  }
0xc3: {  	_ =	strace $0x90000051  }
0xc4: {  	_ =	sfence  }
0xc5: {  	s30 =	sld [smem:$0x0];
	_ =	sdelay $0x2  }
0xc6: {  	s31 =	sshll.u32 s1, $0xD;
	s1 =	sshrl.u32 s1, $0x2  }
0xc7: {  	s4 =	sand.u32 $0x4000, s31;
	s1 =	sadd.s32 s1, s30  }
0xc8: {  	s0 =	sor.u32 s4, s0;
	s1 =	sshll.u32 s1, $0x11  }
0xc9: {  	s0 =	sor.u32 s1, s0  }
0xca: {  	s0 =	sadd.s32 $0x8F2B, s0  }
0xcb: {  	[sflag:s0] =	ssyncadd.remote.s32 $0x1  }
0xcc: {  	_ =	sfence.sel $0xFFFF  }
0xcd: {  	[dreg:$0x0] =	wrdreg $0xFFFFFFFF;
	(pc) =	sbr.abs _section_cstart, $3  }
0xce: {  	[dreg:$0x1] =	wrdreg $0xFFFFFFFF  }
0xcf: {  	_ =	task.clear_ibuf [dreg:s22], $0x2FFFF;
	_ =	strace $0x9FFFFFFF  }
0xd0: {  	(tm) =	ssettm $0x7FFFFFFF  }
0xd1: {  	_ =	shalt  }
tec
execute0_lowered:
.L_overlay_start_1:
0x0: {  	(tag) =	ssettag $0x1  }
0x1: {  	s3 =	rddreg [dreg:$0x0]  }
0x2: {  	s0 =	rddreg [dreg:$0x1];
	s2 =	simm.s32 $0x0  }
0x3: {  	s4 =	srdreg.scid;
	s1 =	stileid.u32;
	s9 =	simm.s32 $0x2000  }
0x4: {  	s10 =	simm.s32 $0x48;
	s11 =	simm.s32 $0x400;
	s12 =	simm.s32 $0x6000  }
0x5: {  	s13 =	simm.s32 $0x8400;
	s14 =	simm.s32 $0x480;
	s15 =	simm.s32 $0xC400  }
0x6: {  	s16 =	simm.s32 $0x1;
	s17 =	simm.s32 $0x2;
	s18 =	simm.s32 $0x0  }
0x7: {  	[smem:$0x7FF] =	sst s2;
	s4 =	sand.u32 $0x1, s4;
	s7 =	smul.u32 $0x32000, s1  }
0x8: {  	s6 =	sshll.u32 s4, $0xA;
	s31 =	ssub.s32 $0x2, s4;
	s4 =	smul.u32 $0x19000, s4  }
.Ltmp0:
0x9: {  	s5 =	sshll.u32 s1, $0xB;
	_ =	strace $0x80000050;
	(pc) =	sbr.rel .LBB2_1-.Ltmp0, $4  }
0xa: {  	s5 =	sor.u32 s6, s5;
	s7 =	sadd.s32 s7, s3;
	s8 =	sshrl.u32 s31, $0x1  }
0xb: {  	s5 =	sadd.s32 s5, s3;
	s3 =	sadd.s32 $0xF63800, s3;
	s6 =	ssub.s32 s31, s8  }
0xc: {  	s7 =	sadd.s32 s4, s7;
	s8 =	simm.s32 $0x80;
	s4 =	sadd.s32 $0x19400, s5  }
0xd: {  	s5 =	smax.u32 s6, $0x1;
	s6 =	sadd.s32 $0x981400, s7;
	s7 =	simm.s32 $0x3  }
.LBB2_7:
0xe: {  	s18 =	sadd.s32 $0x1, s18  }
0xf: {  	_ =	swait.ge [sflag:s17], $0xC800;
	p0 =	sne.s32 s18, s5  }
.Ltmp1:
0x10: {  	[sflag:s17] =	ssyncset.done $0x0;
	(pc) =	sbr.rel @!p0 .LBB2_8-.Ltmp1, $4  }
0x11: {  	[sflag:s17] =	ssyncadd.s32 $0xFFFF3800  }
0x12: {  	_ =	swait.ge [sflag:s17], $0xC800  }
0x13: {  	[sflag:s17] =	ssyncset.done $0x0  }
0x14: {  	[sflag:s17] =	ssyncadd.s32 $0xFFFF3800  }
.LBB2_1:
0x15: {  	[tilespmem:s2], [sflag:$0x3] =	stream.linear.gather [hbm4b:s4+s2], $0x2000, $0x38;
	[tilespmem:$0x1B000] =	vst v63  }
0x16: {  	_ =	swait.ge [sflag:s7], $0x2000  }
0x17: {  	[sflag:s7] =	ssyncset.done $0x0  }
0x18: {  	[sflag:s7] =	ssyncadd.s32 $0xFFFFE000  }
0x19: {  	[tilespmem:s9], [sflag:$0x1] =	stream.indirect.gather [hbm4b:s3+s8], $0x80, s2, s8, $0xb8;
	[tilespmem:$0x1B000] =	vst v63  }
0x1a: {  	_ = 	snop  }
0x1b: {  	[tilespmem:s12], [sflag:$0x1] =	stream.indirect.gather [hbm4b:s3+s10], $0x80, s11, s10, $0xb8;
	[tilespmem:$0x1B000] =	vst v63  }
.Ltmp2:
0x1c: {  	_ = 	snop;
	(pc) =	sbr.rel .LBB2_2-.Ltmp2, $4  }
0x1d: {  	s19 =	simm.s32 $0x100  }
0x1e: {  	[tilespmem:s13], [sflag:$0x1] =	stream.indirect.gather [hbm4b:s3+s8], $0x80, s8, s8, $0xb8;
	[tilespmem:$0x1B000] =	vst v63  }
0x1f: {  	s20 =	simm.s32 $0x200;
	s21 =	smov.u32 s6;
	s22 =	simm.s32 $0x0  }
0x20: {  	[tilespmem:s15], [sflag:$0x1] =	stream.indirect.gather [hbm4b:s3+s10], $0x80, s14, s10, $0xb8;
	[tilespmem:$0x1B000] =	vst v63  }
.LBB2_5:
0x21: {  	s24 =	sxor.u32 $0x1, s23  }
0x22: {  	s24 =	smul.u32 $0x32000, s24;
	_ =	sdelay $0x1  }
0x23: {  	s25 =	sand.u32 $0x3800, s20;
	s26 =	sand.u32 $0x300, s19;
	s24 =	sshrl.u32 s24, $0x2  }
0x24: {  	s25 =	sor.u32 s26, s25;
	s28 =	sadd.s32 $0x2000, s24  }
0x25: {  	[tilespmem:s28], [sflag:$0x1] =	stream.indirect.gather [hbm4b:s3+s8], $0x80, s25, s8, $0xb8;
	[tilespmem:$0x1B000] =	vst v63  }
0x26: {  	s29 =	sor.u32 $0x400, s25;
	s31 =	sadd.s32 $0x6000, s24  }
0x27: {  	[tilespmem:s31], [sflag:$0x1] =	stream.indirect.gather [hbm4b:s3+s10], $0x80, s29, s10, $0xb8;
	[tilespmem:$0x1B000] =	vst v63  }
0x28: {  	s30 =	sadd.s32 $0x8400, s24;
	s31 =	sor.u32 $0x80, s25  }
0x29: {  	[tilespmem:s30], [sflag:$0x1] =	stream.indirect.gather [hbm4b:s3+s8], $0x80, s31, s8, $0xb8;
	[tilespmem:$0x1B000] =	vst v63  }
0x2a: {  	s24 =	sadd.s32 $0xC400, s24;
	s25 =	sor.u32 $0x480, s25  }
0x2b: {  	[tilespmem:s24], [sflag:$0x1] =	stream.indirect.gather [hbm4b:s3+s10], $0x80, s25, s10, $0xb8;
	[tilespmem:$0x1B000] =	vst v63  }
.LBB2_6:
0x2c: {  	s22 =	sadd.s32 $0x1, s22  }
0x2d: {  	s23 =	smul.u32 $0x32000, s23;
	p0 =	sne.s32 s22, $0x10  }
.Ltmp3:
0x2e: {  	_ = 	snop;
	(pc) =	sbr.rel @!p0 .LBB2_7-.Ltmp3, $4  }
0x2f: {  	s23 =	sshrl.u32 s23, $0x2  }
0x30: {  	s23 =	sadd.s32 $0x2000, s23  }
0x31: {  	[hbm4b:s21+s2] =	stream.linear.scatter [tilespmem:s23], [sflag:$0x2], $0xC800, $0x38;
	[tilespmem:$0x1B000] =	vst v63  }
0x32: {  	s19 =	sadd.s32 $0x100, s19;
	s20 =	sadd.s32 $0x200, s20;
	s21 =	sadd.s32 $0x1900, s21  }
.LBB2_2:
0x33: {  	p0 =	seq.s32 s22, $0x0  }
.Ltmp4:
0x34: {  	_ = 	snop;
	(pc) =	sbr.rel @p0 .LBB2_5-.Ltmp4, $4  }
0x35: {  	_ = 	snop  }
0x36: {  	_ =	swait.ge [sflag:s16], $0xC800  }
0x37: {  	[sflag:s16] =	ssyncset.done $0x0  }
0x38: {  	s23 =	sand.u32 $0x1, s22;
	[sflag:s16] =	ssyncadd.s32 $0xFFFF3800  }
0x39: {  	p0 =	seq.s32 s22, $0xF  }
.Ltmp5:
0x3a: {  	_ = 	snop;
	(pc) =	sbr.rel @p0 .LBB2_6-.Ltmp5, $1  }
0x3b: {  	_ =	sdelay $0x3  }
.Ltmp6:
0x3c: {  	(pc) =	sbr.rel .LBB2_5-.Ltmp6, $4  }
0x3d: {  	_ = 	snop  }
0x3e: {  	_ =	swait.ge [sflag:s17], $0xC800  }
0x3f: {  	[sflag:s17] =	ssyncset.done $0x0  }
0x40: {  	[sflag:s17] =	ssyncadd.s32 $0xFFFF3800  }
.LBB2_8:
0x41: {  	_ =	sfence.sel $0x180000  }
0x42: {  	[bflag:$0x0] =	sbarrier.arrive $0xFFFF  }
0x43: {  	p0 =	sne.s32 s1, $0x0;
	_ =	strace $0x90000050  }
0x44: {  	s0 =	sadd.s32 @!p0 $0x100000, s0;
	[bflag:$0x2] =	sbarrier.arrive $0xFFFF  }
0x45: {  	[sflag:s0] =	ssyncadd.tile.s32 @!p0 $0x1;
	_ =	shalt  }
.Lfunc_end2:
_tile_overlayer_lowered:
.L_overlay_start_2:
0x46: {  	(tag) =	ssettag $0x2  }
0x47: {  	s0 =	rddreg [dreg:$0x0];
	s2 =	stileid.u32  }
0x48: {  	s1 =	rddreg [dreg:$0x1];
	p0 =	sne.s32 s2, $0x0  }
0x49: {  	s3 =	rddreg [dreg:$0x2];
	[bflag:$0x3] =	sbarrier.arrive $0xFFFF;
	s2 =	simm.s32 @!p0 $0x1C03  }
0x4a: {  	[timem:s3], [sflag:s2] =	dma.local @!p0 [hbm:s0], s1  }
0x4b: {  	s0 =	simm.s32 @!p0 $0x3  }
0x4c: {  	_ =	swait.ge @!p0 [sflag:s0], s1  }
0x4d: {  	s1 =	ssub.s32 @!p0 $0x0, s1;
	[sflag:s0] =	ssyncset.done @!p0 $0x0  }
0x4e: {  	[sflag:s0] =	ssyncadd.s32 @!p0 s1  }
0x4f: {  	[bflag:$0x3] =	sbarrier.arrive $0xFFFF  }
0x50: {  	_ =	shalt  }

</sc_bundles>
